<compile_context>
chip_gen: v7x
topology: tpu7x:2x2x1
jax: 0.10.2.dev20260603
libtpu: 0.0.44.dev20260713+nightly
codegen_flags: <defaults>
</compile_context>

<pallas_src>
import functools

import jax
import jax.numpy as jnp
from jax import lax
from jax.experimental import pallas as pl
from jax.experimental.pallas import tpu as pltpu
from jax.experimental.pallas import tpu_sc as plsc

N = 100000
C = 128

NC = 2
NS = 16
NP = 102400
NP2 = NP
ROWS_PER_W = NP // 8
SC_CHUNK = 128
NCH = ROWS_PER_W // SC_CHUNK
NBUF = 5
NQ = NCH // NBUF

BLK = 1024


def _sc_gather_body(h, cols_hbm, x_hbm, g_hbm, idx_all, rows_v, gsem, ssem):
    cid = lax.axis_index("c")
    sid = lax.axis_index("s")
    wid = sid * NC + cid
    slot = wid // 8
    sub = wid % 8
    base = sub * ROWS_PER_W
    cbase = h * NP2 + base

    pltpu.sync_copy(cols_hbm.at[slot, pl.ds(cbase, ROWS_PER_W)], idx_all)

    def idx_at(k):
        return idx_all.at[pl.ds(pl.multiple_of(k * SC_CHUNK, SC_CHUNK),
                                SC_CHUNK)]

    def gather(k, b):
        pltpu.async_copy(x_hbm.at[idx_at(k)], rows_v.at[b], gsem.at[b])

    def gather_wait(b):
        pltpu.make_async_copy(
            x_hbm.at[idx_at(0)], rows_v.at[b], gsem.at[b]).wait()

    def scatter_descr(k, b):
        off = pl.multiple_of(base + k * SC_CHUNK, SC_CHUNK)
        return pltpu.make_async_copy(
            rows_v.at[b], g_hbm.at[slot, pl.ds(off, SC_CHUNK)], ssem.at[b])

    for b in range(NBUF):
        gather(b, b)

    def body(q, carry):
        for b in range(NBUF):
            k = q * NBUF + b
            gather_wait(b)
            scatter_descr(k, b).start()

            @pl.when(q < NQ - 1)
            def _():
                scatter_descr(k, b).wait()
                gather(k + NBUF, b)

        return carry

    lax.fori_loop(0, NQ, body, 0)
    for b in range(NBUF):
        scatter_descr(NCH - NBUF + b, b).wait()


@functools.cache
def _sc_gather(h):
    return pl.kernel(
        functools.partial(_sc_gather_body, h),
        out_type=jax.ShapeDtypeStruct((4, NP2, C), jnp.float32),
        mesh=plsc.VectorSubcoreMesh(
            core_axis_name="c", subcore_axis_name="s",
            num_cores=NC, num_subcores=NS,
        ),
        scratch_types=[
            pltpu.VMEM((ROWS_PER_W,), jnp.int32),
            pltpu.VMEM((NBUF, SC_CHUNK, C), jnp.float32),
            pltpu.SemaphoreType.DMA((NBUF,)),
            pltpu.SemaphoreType.DMA((NBUF,)),
        ],
    )


def _tc_fused_body(x_ref, g_ref, v_ref, W_ref, b_ref, ls_ref, lb_ref, o_ref):
    x = x_ref[...]
    vb = v_ref[...]
    a = g_ref[0] * vb[0][:, None]
    bb = g_ref[1] * vb[1][:, None]
    c = g_ref[2] * vb[2][:, None]
    d = g_ref[3] * vb[3][:, None]
    patch = jnp.concatenate(
        [x, jnp.abs(a - c), a + c, jnp.abs(bb - d), bb + d], axis=-1)
    y = jnp.dot(patch, W_ref[...], preferred_element_type=jnp.float32)
    y = y + b_ref[...]
    mu = jnp.mean(y, axis=-1, keepdims=True)
    yc = y - mu
    var = jnp.mean(yc * yc, axis=-1, keepdims=True)
    y = yc * lax.rsqrt(var + 1e-5) * ls_ref[...] + lb_ref[...]
    y = y + x
    o_ref[...] = 0.5 * y * (1.0 + lax.erf(y * 0.7071067811865476))


def _tc_call(h, nrows, x, g, vals, W, b2, ls2, lb2):
    off = h * (NP2 // BLK)

    def shifted(i):
        return (i + off, 0)

    return pl.pallas_call(
        _tc_fused_body,
        grid=(pl.cdiv(nrows, BLK),),
        in_specs=[
            pl.BlockSpec((BLK, C), shifted),
            pl.BlockSpec((4, BLK, C), lambda i: (0, i, 0)),
            pl.BlockSpec((4, BLK), lambda i: (0, i + h * (NP2 // BLK))),
            pl.BlockSpec((5 * C, C), lambda i: (0, 0)),
            pl.BlockSpec((1, C), lambda i: (0, 0)),
            pl.BlockSpec((1, C), lambda i: (0, 0)),
            pl.BlockSpec((1, C), lambda i: (0, 0)),
        ],
        out_specs=pl.BlockSpec((BLK, C), lambda i: (i, 0)),
        out_shape=jax.ShapeDtypeStruct((nrows, C), jnp.float32),
    )(x, g, vals, W, b2, ls2, lb2)


def kernel(x, col1, col2, col3, col4, val1, val2, val3, val4, W, b, ln_scale,
           ln_bias):
    cols = jnp.stack([col1, col2, col3, col4]).astype(jnp.int32)
    cols = jnp.pad(cols, ((0, 0), (0, NP - N)))
    g0 = _sc_gather(0)(cols, x)

    vals = jnp.stack([val1, val2, val3, val4])
    vals = jnp.pad(vals, ((0, 0), (0, NP - N)))

    b2, ls2, lb2 = b[None, :], ln_scale[None, :], ln_bias[None, :]
    return _tc_call(0, N, x, g0, vals, W, b2, ls2, lb2)

# --- scband reference (transcript-rebuilt; emitter-appended) ---
"""Pipeline reference for scband-sparse-mesh-conv-3719441678805 (READ-ONLY COPY).

The authoritative reference and input builder live on the scoring server;
editing this copy changes nothing except your own understanding.
"""

import jax, jax.numpy as jnp
import numpy as np

N = 100000
C = 128

def setup_inputs(seed: int = 0) -> dict:
    key = jax.random.key(seed)
    ks = jax.random.split(key, 12)
    x = jax.random.normal(ks[0], (N, C), dtype=jnp.float32)
    col1 = jax.random.randint(ks[1], (N,), 0, N, dtype=jnp.int64) if jax.config.jax_enable_x64 else jax.random.randint(ks[1], (N,), 0, N).astype(jnp.int32)
    col2 = jax.random.randint(ks[2], (N,), 0, N).astype(col1.dtype)
    col3 = jax.random.randint(ks[3], (N,), 0, N).astype(col1.dtype)
    col4 = jax.random.randint(ks[4], (N,), 0, N).astype(col1.dtype)
    val1 = jax.random.uniform(ks[5], (N,), dtype=jnp.float32)
    val2 = jax.random.uniform(ks[6], (N,), dtype=jnp.float32)
    val3 = jax.random.uniform(ks[7], (N,), dtype=jnp.float32)
    val4 = jax.random.uniform(ks[8], (N,), dtype=jnp.float32)
    W = jax.random.normal(ks[9], (5 * C, C), dtype=jnp.float32) * (1.0 / np.sqrt(5 * C))
    b = jnp.zeros((C,), jnp.float32)
    ln_scale = jnp.ones((C,), jnp.float32)
    ln_bias = jnp.zeros((C,), jnp.float32)
    return {"x": x, "col1": col1, "col2": col2, "col3": col3, "col4": col4,
            "val1": val1, "val2": val2, "val3": val3, "val4": val4,
            "W": W, "b": b, "ln_scale": ln_scale, "ln_bias": ln_bias}

def _layernorm(y, scale, bias, eps=1e-5):
    mu = jnp.mean(y, axis=-1, keepdims=True)
    var = jnp.var(y, axis=-1, keepdims=True)
    return (y - mu) / jnp.sqrt(var + eps) * scale + bias

def reference(x, col1, col2, col3, col4, val1, val2, val3, val4, W, b, ln_scale, ln_bias):
    # each slot matrix s_i is [N, N] sparse with one nonzero per row: s_i @ x == val_i[:,None] * x[col_i]
    a = val1[:, None] * jnp.take(x, col1, axis=0)
    bb = val2[:, None] * jnp.take(x, col2, axis=0)
    c = val3[:, None] * jnp.take(x, col3, axis=0)
    d = val4[:, None] * jnp.take(x, col4, axis=0)
    patch = jnp.concatenate([x, jnp.abs(a - c), a + c, jnp.abs(bb - d), bb + d], axis=-1)
    y = patch @ W + b
    y = _layernorm(y, ln_scale, ln_bias)
    y = y + x  # residual, in_channels == out_channels so residual_proj is Identity
    return jax.nn.gelu(y, approximate=False)

if __name__ == "__main__":
    import jax
    _d = setup_inputs()
    print(jax.jit(kernel)(*tuple(_d.values())))

</pallas_src>

<mosaic_0001>
#map = affine_map<(d0, d1) -> (0, 0)>
#map1 = affine_map<(d0, d1) -> (0, 0, 0)>
module attributes {stable_mosaic.version = 14 : i64} {
  func.func @_sc_gather_body(%arg0: i32, %arg1: i32, %arg2: memref<4x102400xi32, #tpu.memory_space<hbm>>, %arg3: memref<100000x128xf32, #tpu.memory_space<hbm>>, %arg4: memref<4x102400x128xf32, #tpu.memory_space<hbm>>, %arg5: memref<12800xi32, #tpu.memory_space<vmem>>, %arg6: memref<5x128x128xf32, #tpu.memory_space<vmem>>, %arg7: memref<5x!tpu.dma_semaphore, #tpu.memory_space<semaphore_mem>>, %arg8: memref<5x!tpu.dma_semaphore, #tpu.memory_space<semaphore_mem>>) attributes {dimension_semantics = [#tpu.dimension_semantics<core_parallel>, #tpu.dimension_semantics<subcore_parallel>], iteration_bounds = array<i64: 2, 16>, scalar_prefetch = 0 : i64, scratch_operands = 4 : i64, tpu.core_type = #tpu.core_type<sc_vector_subcore>, window_params = [{transform_indices = #map}, {transform_indices = #map}, {transform_indices = #map1}]} {
    %mul3A = arith.constant 2 : i32
    %mul3A_0 = arith.muli %arg1, %mul3A : i32
    %add3A = arith.addi %mul3A_0, %arg0 : i32
    %jit3A = arith.constant 8 : i32
    %div3A = arith.divsi %add3A, %jit3A : i32
    %sign3A = arith.constant 0 : i32
    %sign3A_1 = arith.cmpi sgt, %add3A, %sign3A : i32
    %sign3A_2 = arith.extui %sign3A_1 : i1 to i32
    %sign3A_3 = arith.constant 0 : i32
    %sign3A_4 = arith.cmpi slt, %add3A, %sign3A_3 : i32
    %sign3A_5 = arith.extui %sign3A_4 : i1 to i32
    %sign3A_6 = arith.subi %sign3A_2, %sign3A_5 : i32
    %sign3A_7 = arith.constant 0 : i32
    %sign3A_8 = arith.cmpi sgt, %jit3A, %sign3A_7 : i32
    %sign3A_9 = arith.extui %sign3A_8 : i1 to i32
    %sign3A_10 = arith.constant 0 : i32
    %sign3A_11 = arith.cmpi slt, %jit3A, %sign3A_10 : i32
    %sign3A_12 = arith.extui %sign3A_11 : i1 to i32
    %sign3A_13 = arith.subi %sign3A_9, %sign3A_12 : i32
    %ne3A = arith.cmpi ne, %sign3A_6, %sign3A_13 : i32
    %rem3A = arith.remsi %add3A, %jit3A : i32
    %ne3A_14 = arith.constant 0 : i32
    %ne3A_15 = arith.cmpi ne, %rem3A, %ne3A_14 : i32
    %and3A = arith.andi %ne3A, %ne3A_15 : i1
    %sub3A = arith.constant 1 : i32
    %sub3A_16 = arith.subi %div3A, %sub3A : i32
    %select_n3A = arith.select %and3A, %sub3A_16, %div3A : i32
    %jit3A_17 = arith.constant 8 : i32
    %eq3A = arith.constant 0 : i32
    %eq3A_18 = arith.cmpi eq, %jit3A_17, %eq3A : i32
    %jit3A_19 = arith.constant 1 : i32
    %select_n3A_20 = arith.select %eq3A_18, %jit3A_19, %jit3A_17 : i32
    %rem3A_21 = arith.remsi %add3A, %select_n3A_20 : i32
    %ne3A_22 = arith.constant 0 : i32
    %ne3A_23 = arith.cmpi ne, %rem3A_21, %ne3A_22 : i32
    %lt3A = arith.constant 0 : i32
    %lt3A_24 = arith.cmpi slt, %rem3A_21, %lt3A : i32
    %lt3A_25 = arith.constant 0 : i32
    %lt3A_26 = arith.cmpi slt, %select_n3A_20, %lt3A_25 : i32
    %ne3A_27 = arith.xori %lt3A_24, %lt3A_26 : i1
    %and3A_28 = arith.andi %ne3A_27, %ne3A_23 : i1
    %add3A_29 = arith.addi %rem3A_21, %select_n3A_20 : i32
    %select_n3A_30 = arith.select %and3A_28, %add3A_29, %rem3A_21 : i32
    %mul3A_31 = arith.constant 12800 : i32
    %mul3A_32 = arith.muli %select_n3A_30, %mul3A_31 : i32
    %add3A_33 = arith.constant 0 : i32
    %add3A_34 = arith.addi %add3A_33, %mul3A_32 : i32
    "tpu.region"() ({
      %run_scoped3A = tpu.sem_alloc : memref<!tpu.dma_semaphore, #tpu.memory_space<semaphore_mem>>
      %dma_start3A_212 = tpu.memref_slice %arg2[%select_n3A, %add3A_34] : memref<4x102400xi32, #tpu.memory_space<hbm>> -> memref<1x12800xi32, #tpu.memory_space<hbm>>
      %dma_start3A_213 = tpu.memref_squeeze %dma_start3A_212 : memref<1x12800xi32, #tpu.memory_space<hbm>> -> memref<12800xi32, #tpu.memory_space<hbm>>
      %dma_start3A_214 = tpu.memref_slice %arg2[%select_n3A, %add3A_34] : memref<4x102400xi32, #tpu.memory_space<hbm>> -> memref<1x12800xi32, #tpu.memory_space<hbm>>
      %dma_start3A_215 = tpu.memref_squeeze %dma_start3A_214 : memref<1x12800xi32, #tpu.memory_space<hbm>> -> memref<12800xi32, #tpu.memory_space<hbm>>
      tpu.enqueue_dma source(%dma_start3A_215 : memref<12800xi32, #tpu.memory_space<hbm>>) target(%arg5 : memref<12800xi32, #tpu.memory_space<vmem>>) target_semaphore(%run_scoped3A : memref<!tpu.dma_semaphore, #tpu.memory_space<semaphore_mem>>)
      %dma_wait3A_216 = tpu.memref_slice %arg2[%select_n3A, %add3A_34] : memref<4x102400xi32, #tpu.memory_space<hbm>> -> memref<1x12800xi32, #tpu.memory_space<hbm>>
      %dma_wait3A_217 = tpu.memref_squeeze %dma_wait3A_216 : memref<1x12800xi32, #tpu.memory_space<hbm>> -> memref<12800xi32, #tpu.memory_space<hbm>>
      %dma_wait3A_218 = tpu.memref_slice %arg2[%select_n3A, %add3A_34] : memref<4x102400xi32, #tpu.memory_space<hbm>> -> memref<1x12800xi32, #tpu.memory_space<hbm>>
      %dma_wait3A_219 = tpu.memref_squeeze %dma_wait3A_218 : memref<1x12800xi32, #tpu.memory_space<hbm>> -> memref<12800xi32, #tpu.memory_space<hbm>>
      tpu.wait_dma2 semaphore(%run_scoped3A : memref<!tpu.dma_semaphore, #tpu.memory_space<semaphore_mem>>) src(%dma_wait3A_219 : memref<12800xi32, #tpu.memory_space<hbm>>) dst(%arg5 : memref<12800xi32, #tpu.memory_space<vmem>>)
      tpu.yield
    }) : () -> ()
    %multiple_of3A = arith.constant 0 : i32
    %multiple_of3A_35 = tpu.assume_multiple %multiple_of3A, 128 : i32
    %dma_start3A = arith.constant 0 : i32
    %dma_start3A_36 = arith.constant 0 : i32
    %dma_start3A_37 = arith.constant 0 : i32
    %dma_start3A_38 = arith.constant 0 : i32
    %dma_start3A_39 = tpu.memref_slice %arg6[%dma_start3A, %dma_start3A_37, %dma_start3A_38] : memref<5x128x128xf32, #tpu.memory_space<vmem>> -> memref<1x128x128xf32, #tpu.memory_space<vmem>>
    %dma_start3A_40 = tpu.memref_squeeze %dma_start3A_39 : memref<1x128x128xf32, #tpu.memory_space<vmem>> -> memref<128x128xf32, #tpu.memory_space<vmem>>
    %dma_start3A_41 = tpu.memref_slice %arg5[%multiple_of3A_35] : memref<12800xi32, #tpu.memory_space<vmem>> -> memref<128xi32, #tpu.memory_space<vmem>>
    %dma_start3A_42 = arith.constant 0 : i32
    %dma_start3A_43 = arith.constant 0 : i32
    %dma_start3A_44 = tpu.memref_slice %arg3[%dma_start3A_42, %dma_start3A_43] : memref<100000x128xf32, #tpu.memory_space<hbm>> -> memref<100000x128xf32, #tpu.memory_space<hbm>>
    %dma_start3A_45 = tpu.memref_slice %arg7[%dma_start3A_36] : memref<5x!tpu.dma_semaphore, #tpu.memory_space<semaphore_mem>> -> memref<1x!tpu.dma_semaphore, #tpu.memory_space<semaphore_mem>>
    %dma_start3A_46 = tpu.memref_squeeze %dma_start3A_45 : memref<1x!tpu.dma_semaphore, #tpu.memory_space<semaphore_mem>> -> memref<!tpu.dma_semaphore, #tpu.memory_space<semaphore_mem>>
    tpu.enqueue_indirect_dma source(%dma_start3A_44 : memref<100000x128xf32, #tpu.memory_space<hbm>>) target(%dma_start3A_40 : memref<128x128xf32, #tpu.memory_space<vmem>>) offsets(%dma_start3A_41 : memref<128xi32, #tpu.memory_space<vmem>>) semaphore(%dma_start3A_46 : memref<!tpu.dma_semaphore, #tpu.memory_space<semaphore_mem>>)
    %multiple_of3A_47 = arith.constant 128 : i32
    %multiple_of3A_48 = tpu.assume_multiple %multiple_of3A_47, 128 : i32
    %dma_start3A_49 = arith.constant 1 : i32
    %dma_start3A_50 = arith.constant 1 : i32
    %dma_start3A_51 = arith.constant 0 : i32
    %dma_start3A_52 = arith.constant 0 : i32
    %dma_start3A_53 = tpu.memref_slice %arg6[%dma_start3A_49, %dma_start3A_51, %dma_start3A_52] : memref<5x128x128xf32, #tpu.memory_space<vmem>> -> memref<1x128x128xf32, #tpu.memory_space<vmem>>
    %dma_start3A_54 = tpu.memref_squeeze %dma_start3A_53 : memref<1x128x128xf32, #tpu.memory_space<vmem>> -> memref<128x128xf32, #tpu.memory_space<vmem>>
    %dma_start3A_55 = tpu.memref_slice %arg5[%multiple_of3A_48] : memref<12800xi32, #tpu.memory_space<vmem>> -> memref<128xi32, #tpu.memory_space<vmem>>
    %dma_start3A_56 = arith.constant 0 : i32
    %dma_start3A_57 = arith.constant 0 : i32
    %dma_start3A_58 = tpu.memref_slice %arg3[%dma_start3A_56, %dma_start3A_57] : memref<100000x128xf32, #tpu.memory_space<hbm>> -> memref<100000x128xf32, #tpu.memory_space<hbm>>
    %dma_start3A_59 = tpu.memref_slice %arg7[%dma_start3A_50] : memref<5x!tpu.dma_semaphore, #tpu.memory_space<semaphore_mem>> -> memref<1x!tpu.dma_semaphore, #tpu.memory_space<semaphore_mem>>
    %dma_start3A_60 = tpu.memref_squeeze %dma_start3A_59 : memref<1x!tpu.dma_semaphore, #tpu.memory_space<semaphore_mem>> -> memref<!tpu.dma_semaphore, #tpu.memory_space<semaphore_mem>>
    tpu.enqueue_indirect_dma source(%dma_start3A_58 : memref<100000x128xf32, #tpu.memory_space<hbm>>) target(%dma_start3A_54 : memref<128x128xf32, #tpu.memory_space<vmem>>) offsets(%dma_start3A_55 : memref<128xi32, #tpu.memory_space<vmem>>) semaphore(%dma_start3A_60 : memref<!tpu.dma_semaphore, #tpu.memory_space<semaphore_mem>>)
    %multiple_of3A_61 = arith.constant 256 : i32
    %multiple_of3A_62 = tpu.assume_multiple %multiple_of3A_61, 128 : i32
    %dma_start3A_63 = arith.constant 2 : i32
    %dma_start3A_64 = arith.constant 2 : i32
    %dma_start3A_65 = arith.constant 0 : i32
    %dma_start3A_66 = arith.constant 0 : i32
    %dma_start3A_67 = tpu.memref_slice %arg6[%dma_start3A_63, %dma_start3A_65, %dma_start3A_66] : memref<5x128x128xf32, #tpu.memory_space<vmem>> -> memref<1x128x128xf32, #tpu.memory_space<vmem>>
    %dma_start3A_68 = tpu.memref_squeeze %dma_start3A_67 : memref<1x128x128xf32, #tpu.memory_space<vmem>> -> memref<128x128xf32, #tpu.memory_space<vmem>>
    %dma_start3A_69 = tpu.memref_slice %arg5[%multiple_of3A_62] : memref<12800xi32, #tpu.memory_space<vmem>> -> memref<128xi32, #tpu.memory_space<vmem>>
    %dma_start3A_70 = arith.constant 0 : i32
    %dma_start3A_71 = arith.constant 0 : i32
    %dma_start3A_72 = tpu.memref_slice %arg3[%dma_start3A_70, %dma_start3A_71] : memref<100000x128xf32, #tpu.memory_space<hbm>> -> memref<100000x128xf32, #tpu.memory_space<hbm>>
    %dma_start3A_73 = tpu.memref_slice %arg7[%dma_start3A_64] : memref<5x!tpu.dma_semaphore, #tpu.memory_space<semaphore_mem>> -> memref<1x!tpu.dma_semaphore, #tpu.memory_space<semaphore_mem>>
    %dma_start3A_74 = tpu.memref_squeeze %dma_start3A_73 : memref<1x!tpu.dma_semaphore, #tpu.memory_space<semaphore_mem>> -> memref<!tpu.dma_semaphore, #tpu.memory_space<semaphore_mem>>
    tpu.enqueue_indirect_dma source(%dma_start3A_72 : memref<100000x128xf32, #tpu.memory_space<hbm>>) target(%dma_start3A_68 : memref<128x128xf32, #tpu.memory_space<vmem>>) offsets(%dma_start3A_69 : memref<128xi32, #tpu.memory_space<vmem>>) semaphore(%dma_start3A_74 : memref<!tpu.dma_semaphore, #tpu.memory_space<semaphore_mem>>)
    %multiple_of3A_75 = arith.constant 384 : i32
    %multiple_of3A_76 = tpu.assume_multiple %multiple_of3A_75, 128 : i32
    %dma_start3A_77 = arith.constant 3 : i32
    %dma_start3A_78 = arith.constant 3 : i32
    %dma_start3A_79 = arith.constant 0 : i32
    %dma_start3A_80 = arith.constant 0 : i32
    %dma_start3A_81 = tpu.memref_slice %arg6[%dma_start3A_77, %dma_start3A_79, %dma_start3A_80] : memref<5x128x128xf32, #tpu.memory_space<vmem>> -> memref<1x128x128xf32, #tpu.memory_space<vmem>>
    %dma_start3A_82 = tpu.memref_squeeze %dma_start3A_81 : memref<1x128x128xf32, #tpu.memory_space<vmem>> -> memref<128x128xf32, #tpu.memory_space<vmem>>
    %dma_start3A_83 = tpu.memref_slice %arg5[%multiple_of3A_76] : memref<12800xi32, #tpu.memory_space<vmem>> -> memref<128xi32, #tpu.memory_space<vmem>>
    %dma_start3A_84 = arith.constant 0 : i32
    %dma_start3A_85 = arith.constant 0 : i32
    %dma_start3A_86 = tpu.memref_slice %arg3[%dma_start3A_84, %dma_start3A_85] : memref<100000x128xf32, #tpu.memory_space<hbm>> -> memref<100000x128xf32, #tpu.memory_space<hbm>>
    %dma_start3A_87 = tpu.memref_slice %arg7[%dma_start3A_78] : memref<5x!tpu.dma_semaphore, #tpu.memory_space<semaphore_mem>> -> memref<1x!tpu.dma_semaphore, #tpu.memory_space<semaphore_mem>>
    %dma_start3A_88 = tpu.memref_squeeze %dma_start3A_87 : memref<1x!tpu.dma_semaphore, #tpu.memory_space<semaphore_mem>> -> memref<!tpu.dma_semaphore, #tpu.memory_space<semaphore_mem>>
    tpu.enqueue_indirect_dma source(%dma_start3A_86 : memref<100000x128xf32, #tpu.memory_space<hbm>>) target(%dma_start3A_82 : memref<128x128xf32, #tpu.memory_space<vmem>>) offsets(%dma_start3A_83 : memref<128xi32, #tpu.memory_space<vmem>>) semaphore(%dma_start3A_88 : memref<!tpu.dma_semaphore, #tpu.memory_space<semaphore_mem>>)
    %multiple_of3A_89 = arith.constant 512 : i32
    %multiple_of3A_90 = tpu.assume_multiple %multiple_of3A_89, 128 : i32
    %dma_start3A_91 = arith.constant 4 : i32
    %dma_start3A_92 = arith.constant 4 : i32
    %dma_start3A_93 = arith.constant 0 : i32
    %dma_start3A_94 = arith.constant 0 : i32
    %dma_start3A_95 = tpu.memref_slice %arg6[%dma_start3A_91, %dma_start3A_93, %dma_start3A_94] : memref<5x128x128xf32, #tpu.memory_space<vmem>> -> memref<1x128x128xf32, #tpu.memory_space<vmem>>
    %dma_start3A_96 = tpu.memref_squeeze %dma_start3A_95 : memref<1x128x128xf32, #tpu.memory_space<vmem>> -> memref<128x128xf32, #tpu.memory_space<vmem>>
    %dma_start3A_97 = tpu.memref_slice %arg5[%multiple_of3A_90] : memref<12800xi32, #tpu.memory_space<vmem>> -> memref<128xi32, #tpu.memory_space<vmem>>
    %dma_start3A_98 = arith.constant 0 : i32
    %dma_start3A_99 = arith.constant 0 : i32
    %dma_start3A_100 = tpu.memref_slice %arg3[%dma_start3A_98, %dma_start3A_99] : memref<100000x128xf32, #tpu.memory_space<hbm>> -> memref<100000x128xf32, #tpu.memory_space<hbm>>
    %dma_start3A_101 = tpu.memref_slice %arg7[%dma_start3A_92] : memref<5x!tpu.dma_semaphore, #tpu.memory_space<semaphore_mem>> -> memref<1x!tpu.dma_semaphore, #tpu.memory_space<semaphore_mem>>
    %dma_start3A_102 = tpu.memref_squeeze %dma_start3A_101 : memref<1x!tpu.dma_semaphore, #tpu.memory_space<semaphore_mem>> -> memref<!tpu.dma_semaphore, #tpu.memory_space<semaphore_mem>>
    tpu.enqueue_indirect_dma source(%dma_start3A_100 : memref<100000x128xf32, #tpu.memory_space<hbm>>) target(%dma_start3A_96 : memref<128x128xf32, #tpu.memory_space<vmem>>) offsets(%dma_start3A_97 : memref<128xi32, #tpu.memory_space<vmem>>) semaphore(%dma_start3A_102 : memref<!tpu.dma_semaphore, #tpu.memory_space<semaphore_mem>>)
    %scan3A = arith.constant 0 : i32
    %scan3A_103 = arith.constant 0 : i32
    %scan3A_104 = arith.constant 20 : i32
    %scan3A_105 = arith.addi %scan3A_103, %scan3A_104 : i32
    %scan3A_106 = arith.constant 1 : i32
    scf.for %scan3A_212 = %scan3A_103 to %scan3A_105 step %scan3A_106  : i32 {
      %mul3A_213 = arith.constant 5 : i32
      %mul3A_214 = arith.muli %scan3A_212, %mul3A_213 : i32
      %add3A_215 = arith.constant 0 : i32
      %add3A_216 = arith.addi %mul3A_214, %add3A_215 : i32
      %multiple_of3A_217 = arith.constant 0 : i32
      %multiple_of3A_218 = tpu.assume_multiple %multiple_of3A_217, 128 : i32
      %dma_wait3A_219 = arith.constant 0 : i32
      %dma_wait3A_220 = arith.constant 0 : i32
      %dma_wait3A_221 = arith.constant 0 : i32
      %dma_wait3A_222 = arith.constant 0 : i32
      %dma_wait3A_223 = tpu.memref_slice %arg6[%dma_wait3A_219, %dma_wait3A_221, %dma_wait3A_222] : memref<5x128x128xf32, #tpu.memory_space<vmem>> -> memref<1x128x128xf32, #tpu.memory_space<vmem>>
      %dma_wait3A_224 = tpu.memref_squeeze %dma_wait3A_223 : memref<1x128x128xf32, #tpu.memory_space<vmem>> -> memref<128x128xf32, #tpu.memory_space<vmem>>
      %dma_wait3A_225 = tpu.memref_slice %arg5[%multiple_of3A_218] : memref<12800xi32, #tpu.memory_space<vmem>> -> memref<128xi32, #tpu.memory_space<vmem>>
      %dma_wait3A_226 = arith.constant 0 : i32
      %dma_wait3A_227 = arith.constant 0 : i32
      %dma_wait3A_228 = tpu.memref_slice %arg3[%dma_wait3A_226, %dma_wait3A_227] : memref<100000x128xf32, #tpu.memory_space<hbm>> -> memref<100000x128xf32, #tpu.memory_space<hbm>>
      %dma_wait3A_229 = tpu.memref_slice %arg7[%dma_wait3A_220] : memref<5x!tpu.dma_semaphore, #tpu.memory_space<semaphore_mem>> -> memref<1x!tpu.dma_semaphore, #tpu.memory_space<semaphore_mem>>
      %dma_wait3A_230 = tpu.memref_squeeze %dma_wait3A_229 : memref<1x!tpu.dma_semaphore, #tpu.memory_space<semaphore_mem>> -> memref<!tpu.dma_semaphore, #tpu.memory_space<semaphore_mem>>
      tpu.wait_indirect_dma semaphore(%dma_wait3A_230 : memref<!tpu.dma_semaphore, #tpu.memory_space<semaphore_mem>>) src(%dma_wait3A_228 : memref<100000x128xf32, #tpu.memory_space<hbm>>) dst(%dma_wait3A_224 : memref<128x128xf32, #tpu.memory_space<vmem>>)
      %mul3A_231 = arith.constant 128 : i32
      %mul3A_232 = arith.muli %add3A_216, %mul3A_231 : i32
      %add3A_233 = arith.addi %mul3A_32, %mul3A_232 : i32
      %multiple_of3A_234 = tpu.assume_multiple %add3A_233, 128 : i32
      %dma_start3A_235 = arith.constant 0 : i32
      %dma_start3A_236 = arith.constant 0 : i32
      %dma_start3A_237 = arith.constant 0 : i32
      %dma_start3A_238 = arith.constant 0 : i32
      %dma_start3A_239 = tpu.memref_slice %arg6[%dma_start3A_235, %dma_start3A_237, %dma_start3A_238] : memref<5x128x128xf32, #tpu.memory_space<vmem>> -> memref<1x128x128xf32, #tpu.memory_space<vmem>>
      %dma_start3A_240 = tpu.memref_squeeze %dma_start3A_239 : memref<1x128x128xf32, #tpu.memory_space<vmem>> -> memref<128x128xf32, #tpu.memory_space<vmem>>
      %dma_start3A_241 = arith.constant 0 : i32
      %dma_start3A_242 = tpu.memref_slice %arg4[%select_n3A, %multiple_of3A_234, %dma_start3A_241] : memref<4x102400x128xf32, #tpu.memory_space<hbm>> -> memref<1x128x128xf32, #tpu.memory_space<hbm>>
      %dma_start3A_243 = tpu.memref_squeeze %dma_start3A_242 : memref<1x128x128xf32, #tpu.memory_space<hbm>> -> memref<128x128xf32, #tpu.memory_space<hbm>>
      %dma_start3A_244 = tpu.memref_slice %arg8[%dma_start3A_236] : memref<5x!tpu.dma_semaphore, #tpu.memory_space<semaphore_mem>> -> memref<1x!tpu.dma_semaphore, #tpu.memory_space<semaphore_mem>>
      %dma_start3A_245 = tpu.memref_squeeze %dma_start3A_244 : memref<1x!tpu.dma_semaphore, #tpu.memory_space<semaphore_mem>> -> memref<!tpu.dma_semaphore, #tpu.memory_space<semaphore_mem>>
      %dma_start3A_246 = arith.constant 0 : i32
      %dma_start3A_247 = tpu.memref_slice %arg4[%select_n3A, %multiple_of3A_234, %dma_start3A_246] : memref<4x102400x128xf32, #tpu.memory_space<hbm>> -> memref<1x128x128xf32, #tpu.memory_space<hbm>>
      %dma_start3A_248 = tpu.memref_squeeze %dma_start3A_247 : memref<1x128x128xf32, #tpu.memory_space<hbm>> -> memref<128x128xf32, #tpu.memory_space<hbm>>
      %dma_start3A_249 = arith.constant 0 : i32
      %dma_start3A_250 = arith.constant 0 : i32
      %dma_start3A_251 = tpu.memref_slice %arg6[%dma_start3A_235, %dma_start3A_249, %dma_start3A_250] : memref<5x128x128xf32, #tpu.memory_space<vmem>> -> memref<1x128x128xf32, #tpu.memory_space<vmem>>
      %dma_start3A_252 = tpu.memref_squeeze %dma_start3A_251 : memref<1x128x128xf32, #tpu.memory_space<vmem>> -> memref<128x128xf32, #tpu.memory_space<vmem>>
      tpu.enqueue_dma source(%dma_start3A_252 : memref<128x128xf32, #tpu.memory_space<vmem>>) target(%dma_start3A_248 : memref<128x128xf32, #tpu.memory_space<hbm>>) target_semaphore(%dma_start3A_245 : memref<!tpu.dma_semaphore, #tpu.memory_space<semaphore_mem>>)
      %lt3A_253 = arith.constant 19 : i32
      %lt3A_254 = arith.cmpi slt, %scan3A_212, %lt3A_253 : i32
      %convert_element_type3A = arith.extui %lt3A_254 : i1 to i32
      %cond3A = arith.constant 0 : i32
      %cond3A_255 = arith.cmpi ne, %convert_element_type3A, %cond3A : i32
      scf.if %cond3A_255 {
        %mul3A_436 = arith.constant 128 : i32
        %mul3A_437 = arith.muli %add3A_216, %mul3A_436 : i32
        %add3A_438 = arith.addi %mul3A_32, %mul3A_437 : i32
        %multiple_of3A_439 = tpu.assume_multiple %add3A_438, 128 : i32
        %dma_wait3A_440 = arith.constant 0 : i32
        %dma_wait3A_441 = arith.constant 0 : i32
        %dma_wait3A_442 = arith.constant 0 : i32
        %dma_wait3A_443 = arith.constant 0 : i32
        %dma_wait3A_444 = tpu.memref_slice %arg6[%dma_wait3A_440, %dma_wait3A_442, %dma_wait3A_443] : memref<5x128x128xf32, #tpu.memory_space<vmem>> -> memref<1x128x128xf32, #tpu.memory_space<vmem>>
        %dma_wait3A_445 = tpu.memref_squeeze %dma_wait3A_444 : memref<1x128x128xf32, #tpu.memory_space<vmem>> -> memref<128x128xf32, #tpu.memory_space<vmem>>
        %dma_wait3A_446 = arith.constant 0 : i32
        %dma_wait3A_447 = tpu.memref_slice %arg4[%select_n3A, %multiple_of3A_439, %dma_wait3A_446] : memref<4x102400x128xf32, #tpu.memory_space<hbm>> -> memref<1x128x128xf32, #tpu.memory_space<hbm>>
        %dma_wait3A_448 = tpu.memref_squeeze %dma_wait3A_447 : memref<1x128x128xf32, #tpu.memory_space<hbm>> -> memref<128x128xf32, #tpu.memory_space<hbm>>
        %dma_wait3A_449 = tpu.memref_slice %arg8[%dma_wait3A_441] : memref<5x!tpu.dma_semaphore, #tpu.memory_space<semaphore_mem>> -> memref<1x!tpu.dma_semaphore, #tpu.memory_space<semaphore_mem>>
        %dma_wait3A_450 = tpu.memref_squeeze %dma_wait3A_449 : memref<1x!tpu.dma_semaphore, #tpu.memory_space<semaphore_mem>> -> memref<!tpu.dma_semaphore, #tpu.memory_space<semaphore_mem>>
        %dma_wait3A_451 = arith.constant 0 : i32
        %dma_wait3A_452 = tpu.memref_slice %arg4[%select_n3A, %multiple_of3A_439, %dma_wait3A_451] : memref<4x102400x128xf32, #tpu.memory_space<hbm>> -> memref<1x128x128xf32, #tpu.memory_space<hbm>>
        %dma_wait3A_453 = tpu.memref_squeeze %dma_wait3A_452 : memref<1x128x128xf32, #tpu.memory_space<hbm>> -> memref<128x128xf32, #tpu.memory_space<hbm>>
        %dma_wait3A_454 = arith.constant 0 : i32
        %dma_wait3A_455 = arith.constant 0 : i32
        %dma_wait3A_456 = tpu.memref_slice %arg6[%dma_wait3A_440, %dma_wait3A_454, %dma_wait3A_455] : memref<5x128x128xf32, #tpu.memory_space<vmem>> -> memref<1x128x128xf32, #tpu.memory_space<vmem>>
        %dma_wait3A_457 = tpu.memref_squeeze %dma_wait3A_456 : memref<1x128x128xf32, #tpu.memory_space<vmem>> -> memref<128x128xf32, #tpu.memory_space<vmem>>
        tpu.wait_dma2 semaphore(%dma_wait3A_450 : memref<!tpu.dma_semaphore, #tpu.memory_space<semaphore_mem>>) src(%dma_wait3A_457 : memref<128x128xf32, #tpu.memory_space<vmem>>) dst(%dma_wait3A_453 : memref<128x128xf32, #tpu.memory_space<hbm>>)
        %add3A_458 = arith.constant 5 : i32
        %add3A_459 = arith.addi %add3A_216, %add3A_458 : i32
        %mul3A_460 = arith.constant 128 : i32
        %mul3A_461 = arith.muli %add3A_459, %mul3A_460 : i32
        %multiple_of3A_462 = tpu.assume_multiple %mul3A_461, 128 : i32
        %dma_start3A_463 = arith.constant 0 : i32
        %dma_start3A_464 = arith.constant 0 : i32
        %dma_start3A_465 = arith.constant 0 : i32
        %dma_start3A_466 = arith.constant 0 : i32
        %dma_start3A_467 = tpu.memref_slice %arg6[%dma_start3A_463, %dma_start3A_465, %dma_start3A_466] : memref<5x128x128xf32, #tpu.memory_space<vmem>> -> memref<1x128x128xf32, #tpu.memory_space<vmem>>
        %dma_start3A_468 = tpu.memref_squeeze %dma_start3A_467 : memref<1x128x128xf32, #tpu.memory_space<vmem>> -> memref<128x128xf32, #tpu.memory_space<vmem>>
        %dma_start3A_469 = tpu.memref_slice %arg5[%multiple_of3A_462] : memref<12800xi32, #tpu.memory_space<vmem>> -> memref<128xi32, #tpu.memory_space<vmem>>
        %dma_start3A_470 = arith.constant 0 : i32
        %dma_start3A_471 = arith.constant 0 : i32
        %dma_start3A_472 = tpu.memref_slice %arg3[%dma_start3A_470, %dma_start3A_471] : memref<100000x128xf32, #tpu.memory_space<hbm>> -> memref<100000x128xf32, #tpu.memory_space<hbm>>
        %dma_start3A_473 = tpu.memref_slice %arg7[%dma_start3A_464] : memref<5x!tpu.dma_semaphore, #tpu.memory_space<semaphore_mem>> -> memref<1x!tpu.dma_semaphore, #tpu.memory_space<semaphore_mem>>
        %dma_start3A_474 = tpu.memref_squeeze %dma_start3A_473 : memref<1x!tpu.dma_semaphore, #tpu.memory_space<semaphore_mem>> -> memref<!tpu.dma_semaphore, #tpu.memory_space<semaphore_mem>>
        tpu.enqueue_indirect_dma source(%dma_start3A_472 : memref<100000x128xf32, #tpu.memory_space<hbm>>) target(%dma_start3A_468 : memref<128x128xf32, #tpu.memory_space<vmem>>) offsets(%dma_start3A_469 : memref<128xi32, #tpu.memory_space<vmem>>) semaphore(%dma_start3A_474 : memref<!tpu.dma_semaphore, #tpu.memory_space<semaphore_mem>>)
      } else {
      }
      %mul3A_256 = arith.constant 5 : i32
      %mul3A_257 = arith.muli %scan3A_212, %mul3A_256 : i32
      %add3A_258 = arith.constant 1 : i32
      %add3A_259 = arith.addi %mul3A_257, %add3A_258 : i32
      %multiple_of3A_260 = arith.constant 0 : i32
      %multiple_of3A_261 = tpu.assume_multiple %multiple_of3A_260, 128 : i32
      %dma_wait3A_262 = arith.constant 1 : i32
      %dma_wait3A_263 = arith.constant 1 : i32
      %dma_wait3A_264 = arith.constant 0 : i32
      %dma_wait3A_265 = arith.constant 0 : i32
      %dma_wait3A_266 = tpu.memref_slice %arg6[%dma_wait3A_262, %dma_wait3A_264, %dma_wait3A_265] : memref<5x128x128xf32, #tpu.memory_space<vmem>> -> memref<1x128x128xf32, #tpu.memory_space<vmem>>
      %dma_wait3A_267 = tpu.memref_squeeze %dma_wait3A_266 : memref<1x128x128xf32, #tpu.memory_space<vmem>> -> memref<128x128xf32, #tpu.memory_space<vmem>>
      %dma_wait3A_268 = tpu.memref_slice %arg5[%multiple_of3A_261] : memref<12800xi32, #tpu.memory_space<vmem>> -> memref<128xi32, #tpu.memory_space<vmem>>
      %dma_wait3A_269 = arith.constant 0 : i32
      %dma_wait3A_270 = arith.constant 0 : i32
      %dma_wait3A_271 = tpu.memref_slice %arg3[%dma_wait3A_269, %dma_wait3A_270] : memref<100000x128xf32, #tpu.memory_space<hbm>> -> memref<100000x128xf32, #tpu.memory_space<hbm>>
      %dma_wait3A_272 = tpu.memref_slice %arg7[%dma_wait3A_263] : memref<5x!tpu.dma_semaphore, #tpu.memory_space<semaphore_mem>> -> memref<1x!tpu.dma_semaphore, #tpu.memory_space<semaphore_mem>>
      %dma_wait3A_273 = tpu.memref_squeeze %dma_wait3A_272 : memref<1x!tpu.dma_semaphore, #tpu.memory_space<semaphore_mem>> -> memref<!tpu.dma_semaphore, #tpu.memory_space<semaphore_mem>>
      tpu.wait_indirect_dma semaphore(%dma_wait3A_273 : memref<!tpu.dma_semaphore, #tpu.memory_space<semaphore_mem>>) src(%dma_wait3A_271 : memref<100000x128xf32, #tpu.memory_space<hbm>>) dst(%dma_wait3A_267 : memref<128x128xf32, #tpu.memory_space<vmem>>)
      %mul3A_274 = arith.constant 128 : i32
      %mul3A_275 = arith.muli %add3A_259, %mul3A_274 : i32
      %add3A_276 = arith.addi %mul3A_32, %mul3A_275 : i32
      %multiple_of3A_277 = tpu.assume_multiple %add3A_276, 128 : i32
      %dma_start3A_278 = arith.constant 1 : i32
      %dma_start3A_279 = arith.constant 1 : i32
      %dma_start3A_280 = arith.constant 0 : i32
      %dma_start3A_281 = arith.constant 0 : i32
      %dma_start3A_282 = tpu.memref_slice %arg6[%dma_start3A_278, %dma_start3A_280, %dma_start3A_281] : memref<5x128x128xf32, #tpu.memory_space<vmem>> -> memref<1x128x128xf32, #tpu.memory_space<vmem>>
      %dma_start3A_283 = tpu.memref_squeeze %dma_start3A_282 : memref<1x128x128xf32, #tpu.memory_space<vmem>> -> memref<128x128xf32, #tpu.memory_space<vmem>>
      %dma_start3A_284 = arith.constant 0 : i32
      %dma_start3A_285 = tpu.memref_slice %arg4[%select_n3A, %multiple_of3A_277, %dma_start3A_284] : memref<4x102400x128xf32, #tpu.memory_space<hbm>> -> memref<1x128x128xf32, #tpu.memory_space<hbm>>
      %dma_start3A_286 = tpu.memref_squeeze %dma_start3A_285 : memref<1x128x128xf32, #tpu.memory_space<hbm>> -> memref<128x128xf32, #tpu.memory_space<hbm>>
      %dma_start3A_287 = tpu.memref_slice %arg8[%dma_start3A_279] : memref<5x!tpu.dma_semaphore, #tpu.memory_space<semaphore_mem>> -> memref<1x!tpu.dma_semaphore, #tpu.memory_space<semaphore_mem>>
      %dma_start3A_288 = tpu.memref_squeeze %dma_start3A_287 : memref<1x!tpu.dma_semaphore, #tpu.memory_space<semaphore_mem>> -> memref<!tpu.dma_semaphore, #tpu.memory_space<semaphore_mem>>
      %dma_start3A_289 = arith.constant 0 : i32
      %dma_start3A_290 = tpu.memref_slice %arg4[%select_n3A, %multiple_of3A_277, %dma_start3A_289] : memref<4x102400x128xf32, #tpu.memory_space<hbm>> -> memref<1x128x128xf32, #tpu.memory_space<hbm>>
      %dma_start3A_291 = tpu.memref_squeeze %dma_start3A_290 : memref<1x128x128xf32, #tpu.memory_space<hbm>> -> memref<128x128xf32, #tpu.memory_space<hbm>>
      %dma_start3A_292 = arith.constant 0 : i32
      %dma_start3A_293 = arith.constant 0 : i32
      %dma_start3A_294 = tpu.memref_slice %arg6[%dma_start3A_278, %dma_start3A_292, %dma_start3A_293] : memref<5x128x128xf32, #tpu.memory_space<vmem>> -> memref<1x128x128xf32, #tpu.memory_space<vmem>>
      %dma_start3A_295 = tpu.memref_squeeze %dma_start3A_294 : memref<1x128x128xf32, #tpu.memory_space<vmem>> -> memref<128x128xf32, #tpu.memory_space<vmem>>
      tpu.enqueue_dma source(%dma_start3A_295 : memref<128x128xf32, #tpu.memory_space<vmem>>) target(%dma_start3A_291 : memref<128x128xf32, #tpu.memory_space<hbm>>) target_semaphore(%dma_start3A_288 : memref<!tpu.dma_semaphore, #tpu.memory_space<semaphore_mem>>)
      %lt3A_296 = arith.constant 19 : i32
      %lt3A_297 = arith.cmpi slt, %scan3A_212, %lt3A_296 : i32
      %convert_element_type3A_298 = arith.extui %lt3A_297 : i1 to i32
      %cond3A_299 = arith.constant 0 : i32
      %cond3A_300 = arith.cmpi ne, %convert_element_type3A_298, %cond3A_299 : i32
      scf.if %cond3A_300 {
        %mul3A_436 = arith.constant 128 : i32
        %mul3A_437 = arith.muli %add3A_259, %mul3A_436 : i32
        %add3A_438 = arith.addi %mul3A_32, %mul3A_437 : i32
        %multiple_of3A_439 = tpu.assume_multiple %add3A_438, 128 : i32
        %dma_wait3A_440 = arith.constant 1 : i32
        %dma_wait3A_441 = arith.constant 1 : i32
        %dma_wait3A_442 = arith.constant 0 : i32
        %dma_wait3A_443 = arith.constant 0 : i32
        %dma_wait3A_444 = tpu.memref_slice %arg6[%dma_wait3A_440, %dma_wait3A_442, %dma_wait3A_443] : memref<5x128x128xf32, #tpu.memory_space<vmem>> -> memref<1x128x128xf32, #tpu.memory_space<vmem>>
        %dma_wait3A_445 = tpu.memref_squeeze %dma_wait3A_444 : memref<1x128x128xf32, #tpu.memory_space<vmem>> -> memref<128x128xf32, #tpu.memory_space<vmem>>
        %dma_wait3A_446 = arith.constant 0 : i32
        %dma_wait3A_447 = tpu.memref_slice %arg4[%select_n3A, %multiple_of3A_439, %dma_wait3A_446] : memref<4x102400x128xf32, #tpu.memory_space<hbm>> -> memref<1x128x128xf32, #tpu.memory_space<hbm>>
        %dma_wait3A_448 = tpu.memref_squeeze %dma_wait3A_447 : memref<1x128x128xf32, #tpu.memory_space<hbm>> -> memref<128x128xf32, #tpu.memory_space<hbm>>
        %dma_wait3A_449 = tpu.memref_slice %arg8[%dma_wait3A_441] : memref<5x!tpu.dma_semaphore, #tpu.memory_space<semaphore_mem>> -> memref<1x!tpu.dma_semaphore, #tpu.memory_space<semaphore_mem>>
        %dma_wait3A_450 = tpu.memref_squeeze %dma_wait3A_449 : memref<1x!tpu.dma_semaphore, #tpu.memory_space<semaphore_mem>> -> memref<!tpu.dma_semaphore, #tpu.memory_space<semaphore_mem>>
        %dma_wait3A_451 = arith.constant 0 : i32
        %dma_wait3A_452 = tpu.memref_slice %arg4[%select_n3A, %multiple_of3A_439, %dma_wait3A_451] : memref<4x102400x128xf32, #tpu.memory_space<hbm>> -> memref<1x128x128xf32, #tpu.memory_space<hbm>>
        %dma_wait3A_453 = tpu.memref_squeeze %dma_wait3A_452 : memref<1x128x128xf32, #tpu.memory_space<hbm>> -> memref<128x128xf32, #tpu.memory_space<hbm>>
        %dma_wait3A_454 = arith.constant 0 : i32
        %dma_wait3A_455 = arith.constant 0 : i32
        %dma_wait3A_456 = tpu.memref_slice %arg6[%dma_wait3A_440, %dma_wait3A_454, %dma_wait3A_455] : memref<5x128x128xf32, #tpu.memory_space<vmem>> -> memref<1x128x128xf32, #tpu.memory_space<vmem>>
        %dma_wait3A_457 = tpu.memref_squeeze %dma_wait3A_456 : memref<1x128x128xf32, #tpu.memory_space<vmem>> -> memref<128x128xf32, #tpu.memory_space<vmem>>
        tpu.wait_dma2 semaphore(%dma_wait3A_450 : memref<!tpu.dma_semaphore, #tpu.memory_space<semaphore_mem>>) src(%dma_wait3A_457 : memref<128x128xf32, #tpu.memory_space<vmem>>) dst(%dma_wait3A_453 : memref<128x128xf32, #tpu.memory_space<hbm>>)
        %add3A_458 = arith.constant 5 : i32
        %add3A_459 = arith.addi %add3A_259, %add3A_458 : i32
        %mul3A_460 = arith.constant 128 : i32
        %mul3A_461 = arith.muli %add3A_459, %mul3A_460 : i32
        %multiple_of3A_462 = tpu.assume_multiple %mul3A_461, 128 : i32
        %dma_start3A_463 = arith.constant 1 : i32
        %dma_start3A_464 = arith.constant 1 : i32
        %dma_start3A_465 = arith.constant 0 : i32
        %dma_start3A_466 = arith.constant 0 : i32
        %dma_start3A_467 = tpu.memref_slice %arg6[%dma_start3A_463, %dma_start3A_465, %dma_start3A_466] : memref<5x128x128xf32, #tpu.memory_space<vmem>> -> memref<1x128x128xf32, #tpu.memory_space<vmem>>
        %dma_start3A_468 = tpu.memref_squeeze %dma_start3A_467 : memref<1x128x128xf32, #tpu.memory_space<vmem>> -> memref<128x128xf32, #tpu.memory_space<vmem>>
        %dma_start3A_469 = tpu.memref_slice %arg5[%multiple_of3A_462] : memref<12800xi32, #tpu.memory_space<vmem>> -> memref<128xi32, #tpu.memory_space<vmem>>
        %dma_start3A_470 = arith.constant 0 : i32
        %dma_start3A_471 = arith.constant 0 : i32
        %dma_start3A_472 = tpu.memref_slice %arg3[%dma_start3A_470, %dma_start3A_471] : memref<100000x128xf32, #tpu.memory_space<hbm>> -> memref<100000x128xf32, #tpu.memory_space<hbm>>
        %dma_start3A_473 = tpu.memref_slice %arg7[%dma_start3A_464] : memref<5x!tpu.dma_semaphore, #tpu.memory_space<semaphore_mem>> -> memref<1x!tpu.dma_semaphore, #tpu.memory_space<semaphore_mem>>
        %dma_start3A_474 = tpu.memref_squeeze %dma_start3A_473 : memref<1x!tpu.dma_semaphore, #tpu.memory_space<semaphore_mem>> -> memref<!tpu.dma_semaphore, #tpu.memory_space<semaphore_mem>>
        tpu.enqueue_indirect_dma source(%dma_start3A_472 : memref<100000x128xf32, #tpu.memory_space<hbm>>) target(%dma_start3A_468 : memref<128x128xf32, #tpu.memory_space<vmem>>) offsets(%dma_start3A_469 : memref<128xi32, #tpu.memory_space<vmem>>) semaphore(%dma_start3A_474 : memref<!tpu.dma_semaphore, #tpu.memory_space<semaphore_mem>>)
      } else {
      }
      %mul3A_301 = arith.constant 5 : i32
      %mul3A_302 = arith.muli %scan3A_212, %mul3A_301 : i32
      %add3A_303 = arith.constant 2 : i32
      %add3A_304 = arith.addi %mul3A_302, %add3A_303 : i32
      %multiple_of3A_305 = arith.constant 0 : i32
      %multiple_of3A_306 = tpu.assume_multiple %multiple_of3A_305, 128 : i32
      %dma_wait3A_307 = arith.constant 2 : i32
      %dma_wait3A_308 = arith.constant 2 : i32
      %dma_wait3A_309 = arith.constant 0 : i32
      %dma_wait3A_310 = arith.constant 0 : i32
      %dma_wait3A_311 = tpu.memref_slice %arg6[%dma_wait3A_307, %dma_wait3A_309, %dma_wait3A_310] : memref<5x128x128xf32, #tpu.memory_space<vmem>> -> memref<1x128x128xf32, #tpu.memory_space<vmem>>
      %dma_wait3A_312 = tpu.memref_squeeze %dma_wait3A_311 : memref<1x128x128xf32, #tpu.memory_space<vmem>> -> memref<128x128xf32, #tpu.memory_space<vmem>>
      %dma_wait3A_313 = tpu.memref_slice %arg5[%multiple_of3A_306] : memref<12800xi32, #tpu.memory_space<vmem>> -> memref<128xi32, #tpu.memory_space<vmem>>
      %dma_wait3A_314 = arith.constant 0 : i32
      %dma_wait3A_315 = arith.constant 0 : i32
      %dma_wait3A_316 = tpu.memref_slice %arg3[%dma_wait3A_314, %dma_wait3A_315] : memref<100000x128xf32, #tpu.memory_space<hbm>> -> memref<100000x128xf32, #tpu.memory_space<hbm>>
      %dma_wait3A_317 = tpu.memref_slice %arg7[%dma_wait3A_308] : memref<5x!tpu.dma_semaphore, #tpu.memory_space<semaphore_mem>> -> memref<1x!tpu.dma_semaphore, #tpu.memory_space<semaphore_mem>>
      %dma_wait3A_318 = tpu.memref_squeeze %dma_wait3A_317 : memref<1x!tpu.dma_semaphore, #tpu.memory_space<semaphore_mem>> -> memref<!tpu.dma_semaphore, #tpu.memory_space<semaphore_mem>>
      tpu.wait_indirect_dma semaphore(%dma_wait3A_318 : memref<!tpu.dma_semaphore, #tpu.memory_space<semaphore_mem>>) src(%dma_wait3A_316 : memref<100000x128xf32, #tpu.memory_space<hbm>>) dst(%dma_wait3A_312 : memref<128x128xf32, #tpu.memory_space<vmem>>)
      %mul3A_319 = arith.constant 128 : i32
      %mul3A_320 = arith.muli %add3A_304, %mul3A_319 : i32
      %add3A_321 = arith.addi %mul3A_32, %mul3A_320 : i32
      %multiple_of3A_322 = tpu.assume_multiple %add3A_321, 128 : i32
      %dma_start3A_323 = arith.constant 2 : i32
      %dma_start3A_324 = arith.constant 2 : i32
      %dma_start3A_325 = arith.constant 0 : i32
      %dma_start3A_326 = arith.constant 0 : i32
      %dma_start3A_327 = tpu.memref_slice %arg6[%dma_start3A_323, %dma_start3A_325, %dma_start3A_326] : memref<5x128x128xf32, #tpu.memory_space<vmem>> -> memref<1x128x128xf32, #tpu.memory_space<vmem>>
      %dma_start3A_328 = tpu.memref_squeeze %dma_start3A_327 : memref<1x128x128xf32, #tpu.memory_space<vmem>> -> memref<128x128xf32, #tpu.memory_space<vmem>>
      %dma_start3A_329 = arith.constant 0 : i32
      %dma_start3A_330 = tpu.memref_slice %arg4[%select_n3A, %multiple_of3A_322, %dma_start3A_329] : memref<4x102400x128xf32, #tpu.memory_space<hbm>> -> memref<1x128x128xf32, #tpu.memory_space<hbm>>
      %dma_start3A_331 = tpu.memref_squeeze %dma_start3A_330 : memref<1x128x128xf32, #tpu.memory_space<hbm>> -> memref<128x128xf32, #tpu.memory_space<hbm>>
      %dma_start3A_332 = tpu.memref_slice %arg8[%dma_start3A_324] : memref<5x!tpu.dma_semaphore, #tpu.memory_space<semaphore_mem>> -> memref<1x!tpu.dma_semaphore, #tpu.memory_space<semaphore_mem>>
      %dma_start3A_333 = tpu.memref_squeeze %dma_start3A_332 : memref<1x!tpu.dma_semaphore, #tpu.memory_space<semaphore_mem>> -> memref<!tpu.dma_semaphore, #tpu.memory_space<semaphore_mem>>
      %dma_start3A_334 = arith.constant 0 : i32
      %dma_start3A_335 = tpu.memref_slice %arg4[%select_n3A, %multiple_of3A_322, %dma_start3A_334] : memref<4x102400x128xf32, #tpu.memory_space<hbm>> -> memref<1x128x128xf32, #tpu.memory_space<hbm>>
      %dma_start3A_336 = tpu.memref_squeeze %dma_start3A_335 : memref<1x128x128xf32, #tpu.memory_space<hbm>> -> memref<128x128xf32, #tpu.memory_space<hbm>>
      %dma_start3A_337 = arith.constant 0 : i32
      %dma_start3A_338 = arith.constant 0 : i32
      %dma_start3A_339 = tpu.memref_slice %arg6[%dma_start3A_323, %dma_start3A_337, %dma_start3A_338] : memref<5x128x128xf32, #tpu.memory_space<vmem>> -> memref<1x128x128xf32, #tpu.memory_space<vmem>>
      %dma_start3A_340 = tpu.memref_squeeze %dma_start3A_339 : memref<1x128x128xf32, #tpu.memory_space<vmem>> -> memref<128x128xf32, #tpu.memory_space<vmem>>
      tpu.enqueue_dma source(%dma_start3A_340 : memref<128x128xf32, #tpu.memory_space<vmem>>) target(%dma_start3A_336 : memref<128x128xf32, #tpu.memory_space<hbm>>) target_semaphore(%dma_start3A_333 : memref<!tpu.dma_semaphore, #tpu.memory_space<semaphore_mem>>)
      %lt3A_341 = arith.constant 19 : i32
      %lt3A_342 = arith.cmpi slt, %scan3A_212, %lt3A_341 : i32
      %convert_element_type3A_343 = arith.extui %lt3A_342 : i1 to i32
      %cond3A_344 = arith.constant 0 : i32
      %cond3A_345 = arith.cmpi ne, %convert_element_type3A_343, %cond3A_344 : i32
      scf.if %cond3A_345 {
        %mul3A_436 = arith.constant 128 : i32
        %mul3A_437 = arith.muli %add3A_304, %mul3A_436 : i32
        %add3A_438 = arith.addi %mul3A_32, %mul3A_437 : i32
        %multiple_of3A_439 = tpu.assume_multiple %add3A_438, 128 : i32
        %dma_wait3A_440 = arith.constant 2 : i32
        %dma_wait3A_441 = arith.constant 2 : i32
        %dma_wait3A_442 = arith.constant 0 : i32
        %dma_wait3A_443 = arith.constant 0 : i32
        %dma_wait3A_444 = tpu.memref_slice %arg6[%dma_wait3A_440, %dma_wait3A_442, %dma_wait3A_443] : memref<5x128x128xf32, #tpu.memory_space<vmem>> -> memref<1x128x128xf32, #tpu.memory_space<vmem>>
        %dma_wait3A_445 = tpu.memref_squeeze %dma_wait3A_444 : memref<1x128x128xf32, #tpu.memory_space<vmem>> -> memref<128x128xf32, #tpu.memory_space<vmem>>
        %dma_wait3A_446 = arith.constant 0 : i32
        %dma_wait3A_447 = tpu.memref_slice %arg4[%select_n3A, %multiple_of3A_439, %dma_wait3A_446] : memref<4x102400x128xf32, #tpu.memory_space<hbm>> -> memref<1x128x128xf32, #tpu.memory_space<hbm>>
        %dma_wait3A_448 = tpu.memref_squeeze %dma_wait3A_447 : memref<1x128x128xf32, #tpu.memory_space<hbm>> -> memref<128x128xf32, #tpu.memory_space<hbm>>
        %dma_wait3A_449 = tpu.memref_slice %arg8[%dma_wait3A_441] : memref<5x!tpu.dma_semaphore, #tpu.memory_space<semaphore_mem>> -> memref<1x!tpu.dma_semaphore, #tpu.memory_space<semaphore_mem>>
        %dma_wait3A_450 = tpu.memref_squeeze %dma_wait3A_449 : memref<1x!tpu.dma_semaphore, #tpu.memory_space<semaphore_mem>> -> memref<!tpu.dma_semaphore, #tpu.memory_space<semaphore_mem>>
        %dma_wait3A_451 = arith.constant 0 : i32
        %dma_wait3A_452 = tpu.memref_slice %arg4[%select_n3A, %multiple_of3A_439, %dma_wait3A_451] : memref<4x102400x128xf32, #tpu.memory_space<hbm>> -> memref<1x128x128xf32, #tpu.memory_space<hbm>>
        %dma_wait3A_453 = tpu.memref_squeeze %dma_wait3A_452 : memref<1x128x128xf32, #tpu.memory_space<hbm>> -> memref<128x128xf32, #tpu.memory_space<hbm>>
        %dma_wait3A_454 = arith.constant 0 : i32
        %dma_wait3A_455 = arith.constant 0 : i32
        %dma_wait3A_456 = tpu.memref_slice %arg6[%dma_wait3A_440, %dma_wait3A_454, %dma_wait3A_455] : memref<5x128x128xf32, #tpu.memory_space<vmem>> -> memref<1x128x128xf32, #tpu.memory_space<vmem>>
        %dma_wait3A_457 = tpu.memref_squeeze %dma_wait3A_456 : memref<1x128x128xf32, #tpu.memory_space<vmem>> -> memref<128x128xf32, #tpu.memory_space<vmem>>
        tpu.wait_dma2 semaphore(%dma_wait3A_450 : memref<!tpu.dma_semaphore, #tpu.memory_space<semaphore_mem>>) src(%dma_wait3A_457 : memref<128x128xf32, #tpu.memory_space<vmem>>) dst(%dma_wait3A_453 : memref<128x128xf32, #tpu.memory_space<hbm>>)
        %add3A_458 = arith.constant 5 : i32
        %add3A_459 = arith.addi %add3A_304, %add3A_458 : i32
        %mul3A_460 = arith.constant 128 : i32
        %mul3A_461 = arith.muli %add3A_459, %mul3A_460 : i32
        %multiple_of3A_462 = tpu.assume_multiple %mul3A_461, 128 : i32
        %dma_start3A_463 = arith.constant 2 : i32
        %dma_start3A_464 = arith.constant 2 : i32
        %dma_start3A_465 = arith.constant 0 : i32
        %dma_start3A_466 = arith.constant 0 : i32
        %dma_start3A_467 = tpu.memref_slice %arg6[%dma_start3A_463, %dma_start3A_465, %dma_start3A_466] : memref<5x128x128xf32, #tpu.memory_space<vmem>> -> memref<1x128x128xf32, #tpu.memory_space<vmem>>
        %dma_start3A_468 = tpu.memref_squeeze %dma_start3A_467 : memref<1x128x128xf32, #tpu.memory_space<vmem>> -> memref<128x128xf32, #tpu.memory_space<vmem>>
        %dma_start3A_469 = tpu.memref_slice %arg5[%multiple_of3A_462] : memref<12800xi32, #tpu.memory_space<vmem>> -> memref<128xi32, #tpu.memory_space<vmem>>
        %dma_start3A_470 = arith.constant 0 : i32
        %dma_start3A_471 = arith.constant 0 : i32
        %dma_start3A_472 = tpu.memref_slice %arg3[%dma_start3A_470, %dma_start3A_471] : memref<100000x128xf32, #tpu.memory_space<hbm>> -> memref<100000x128xf32, #tpu.memory_space<hbm>>
        %dma_start3A_473 = tpu.memref_slice %arg7[%dma_start3A_464] : memref<5x!tpu.dma_semaphore, #tpu.memory_space<semaphore_mem>> -> memref<1x!tpu.dma_semaphore, #tpu.memory_space<semaphore_mem>>
        %dma_start3A_474 = tpu.memref_squeeze %dma_start3A_473 : memref<1x!tpu.dma_semaphore, #tpu.memory_space<semaphore_mem>> -> memref<!tpu.dma_semaphore, #tpu.memory_space<semaphore_mem>>
        tpu.enqueue_indirect_dma source(%dma_start3A_472 : memref<100000x128xf32, #tpu.memory_space<hbm>>) target(%dma_start3A_468 : memref<128x128xf32, #tpu.memory_space<vmem>>) offsets(%dma_start3A_469 : memref<128xi32, #tpu.memory_space<vmem>>) semaphore(%dma_start3A_474 : memref<!tpu.dma_semaphore, #tpu.memory_space<semaphore_mem>>)
      } else {
      }
      %mul3A_346 = arith.constant 5 : i32
      %mul3A_347 = arith.muli %scan3A_212, %mul3A_346 : i32
      %add3A_348 = arith.constant 3 : i32
      %add3A_349 = arith.addi %mul3A_347, %add3A_348 : i32
      %multiple_of3A_350 = arith.constant 0 : i32
      %multiple_of3A_351 = tpu.assume_multiple %multiple_of3A_350, 128 : i32
      %dma_wait3A_352 = arith.constant 3 : i32
      %dma_wait3A_353 = arith.constant 3 : i32
      %dma_wait3A_354 = arith.constant 0 : i32
      %dma_wait3A_355 = arith.constant 0 : i32
      %dma_wait3A_356 = tpu.memref_slice %arg6[%dma_wait3A_352, %dma_wait3A_354, %dma_wait3A_355] : memref<5x128x128xf32, #tpu.memory_space<vmem>> -> memref<1x128x128xf32, #tpu.memory_space<vmem>>
      %dma_wait3A_357 = tpu.memref_squeeze %dma_wait3A_356 : memref<1x128x128xf32, #tpu.memory_space<vmem>> -> memref<128x128xf32, #tpu.memory_space<vmem>>
      %dma_wait3A_358 = tpu.memref_slice %arg5[%multiple_of3A_351] : memref<12800xi32, #tpu.memory_space<vmem>> -> memref<128xi32, #tpu.memory_space<vmem>>
      %dma_wait3A_359 = arith.constant 0 : i32
      %dma_wait3A_360 = arith.constant 0 : i32
      %dma_wait3A_361 = tpu.memref_slice %arg3[%dma_wait3A_359, %dma_wait3A_360] : memref<100000x128xf32, #tpu.memory_space<hbm>> -> memref<100000x128xf32, #tpu.memory_space<hbm>>
      %dma_wait3A_362 = tpu.memref_slice %arg7[%dma_wait3A_353] : memref<5x!tpu.dma_semaphore, #tpu.memory_space<semaphore_mem>> -> memref<1x!tpu.dma_semaphore, #tpu.memory_space<semaphore_mem>>
      %dma_wait3A_363 = tpu.memref_squeeze %dma_wait3A_362 : memref<1x!tpu.dma_semaphore, #tpu.memory_space<semaphore_mem>> -> memref<!tpu.dma_semaphore, #tpu.memory_space<semaphore_mem>>
      tpu.wait_indirect_dma semaphore(%dma_wait3A_363 : memref<!tpu.dma_semaphore, #tpu.memory_space<semaphore_mem>>) src(%dma_wait3A_361 : memref<100000x128xf32, #tpu.memory_space<hbm>>) dst(%dma_wait3A_357 : memref<128x128xf32, #tpu.memory_space<vmem>>)
      %mul3A_364 = arith.constant 128 : i32
      %mul3A_365 = arith.muli %add3A_349, %mul3A_364 : i32
      %add3A_366 = arith.addi %mul3A_32, %mul3A_365 : i32
      %multiple_of3A_367 = tpu.assume_multiple %add3A_366, 128 : i32
      %dma_start3A_368 = arith.constant 3 : i32
      %dma_start3A_369 = arith.constant 3 : i32
      %dma_start3A_370 = arith.constant 0 : i32
      %dma_start3A_371 = arith.constant 0 : i32
      %dma_start3A_372 = tpu.memref_slice %arg6[%dma_start3A_368, %dma_start3A_370, %dma_start3A_371] : memref<5x128x128xf32, #tpu.memory_space<vmem>> -> memref<1x128x128xf32, #tpu.memory_space<vmem>>
      %dma_start3A_373 = tpu.memref_squeeze %dma_start3A_372 : memref<1x128x128xf32, #tpu.memory_space<vmem>> -> memref<128x128xf32, #tpu.memory_space<vmem>>
      %dma_start3A_374 = arith.constant 0 : i32
      %dma_start3A_375 = tpu.memref_slice %arg4[%select_n3A, %multiple_of3A_367, %dma_start3A_374] : memref<4x102400x128xf32, #tpu.memory_space<hbm>> -> memref<1x128x128xf32, #tpu.memory_space<hbm>>
      %dma_start3A_376 = tpu.memref_squeeze %dma_start3A_375 : memref<1x128x128xf32, #tpu.memory_space<hbm>> -> memref<128x128xf32, #tpu.memory_space<hbm>>
      %dma_start3A_377 = tpu.memref_slice %arg8[%dma_start3A_369] : memref<5x!tpu.dma_semaphore, #tpu.memory_space<semaphore_mem>> -> memref<1x!tpu.dma_semaphore, #tpu.memory_space<semaphore_mem>>
      %dma_start3A_378 = tpu.memref_squeeze %dma_start3A_377 : memref<1x!tpu.dma_semaphore, #tpu.memory_space<semaphore_mem>> -> memref<!tpu.dma_semaphore, #tpu.memory_space<semaphore_mem>>
      %dma_start3A_379 = arith.constant 0 : i32
      %dma_start3A_380 = tpu.memref_slice %arg4[%select_n3A, %multiple_of3A_367, %dma_start3A_379] : memref<4x102400x128xf32, #tpu.memory_space<hbm>> -> memref<1x128x128xf32, #tpu.memory_space<hbm>>
      %dma_start3A_381 = tpu.memref_squeeze %dma_start3A_380 : memref<1x128x128xf32, #tpu.memory_space<hbm>> -> memref<128x128xf32, #tpu.memory_space<hbm>>
      %dma_start3A_382 = arith.constant 0 : i32
      %dma_start3A_383 = arith.constant 0 : i32
      %dma_start3A_384 = tpu.memref_slice %arg6[%dma_start3A_368, %dma_start3A_382, %dma_start3A_383] : memref<5x128x128xf32, #tpu.memory_space<vmem>> -> memref<1x128x128xf32, #tpu.memory_space<vmem>>
      %dma_start3A_385 = tpu.memref_squeeze %dma_start3A_384 : memref<1x128x128xf32, #tpu.memory_space<vmem>> -> memref<128x128xf32, #tpu.memory_space<vmem>>
      tpu.enqueue_dma source(%dma_start3A_385 : memref<128x128xf32, #tpu.memory_space<vmem>>) target(%dma_start3A_381 : memref<128x128xf32, #tpu.memory_space<hbm>>) target_semaphore(%dma_start3A_378 : memref<!tpu.dma_semaphore, #tpu.memory_space<semaphore_mem>>)
      %lt3A_386 = arith.constant 19 : i32
      %lt3A_387 = arith.cmpi slt, %scan3A_212, %lt3A_386 : i32
      %convert_element_type3A_388 = arith.extui %lt3A_387 : i1 to i32
      %cond3A_389 = arith.constant 0 : i32
      %cond3A_390 = arith.cmpi ne, %convert_element_type3A_388, %cond3A_389 : i32
      scf.if %cond3A_390 {
        %mul3A_436 = arith.constant 128 : i32
        %mul3A_437 = arith.muli %add3A_349, %mul3A_436 : i32
        %add3A_438 = arith.addi %mul3A_32, %mul3A_437 : i32
        %multiple_of3A_439 = tpu.assume_multiple %add3A_438, 128 : i32
        %dma_wait3A_440 = arith.constant 3 : i32
        %dma_wait3A_441 = arith.constant 3 : i32
        %dma_wait3A_442 = arith.constant 0 : i32
        %dma_wait3A_443 = arith.constant 0 : i32
        %dma_wait3A_444 = tpu.memref_slice %arg6[%dma_wait3A_440, %dma_wait3A_442, %dma_wait3A_443] : memref<5x128x128xf32, #tpu.memory_space<vmem>> -> memref<1x128x128xf32, #tpu.memory_space<vmem>>
        %dma_wait3A_445 = tpu.memref_squeeze %dma_wait3A_444 : memref<1x128x128xf32, #tpu.memory_space<vmem>> -> memref<128x128xf32, #tpu.memory_space<vmem>>
        %dma_wait3A_446 = arith.constant 0 : i32
        %dma_wait3A_447 = tpu.memref_slice %arg4[%select_n3A, %multiple_of3A_439, %dma_wait3A_446] : memref<4x102400x128xf32, #tpu.memory_space<hbm>> -> memref<1x128x128xf32, #tpu.memory_space<hbm>>
        %dma_wait3A_448 = tpu.memref_squeeze %dma_wait3A_447 : memref<1x128x128xf32, #tpu.memory_space<hbm>> -> memref<128x128xf32, #tpu.memory_space<hbm>>
        %dma_wait3A_449 = tpu.memref_slice %arg8[%dma_wait3A_441] : memref<5x!tpu.dma_semaphore, #tpu.memory_space<semaphore_mem>> -> memref<1x!tpu.dma_semaphore, #tpu.memory_space<semaphore_mem>>
        %dma_wait3A_450 = tpu.memref_squeeze %dma_wait3A_449 : memref<1x!tpu.dma_semaphore, #tpu.memory_space<semaphore_mem>> -> memref<!tpu.dma_semaphore, #tpu.memory_space<semaphore_mem>>
        %dma_wait3A_451 = arith.constant 0 : i32
        %dma_wait3A_452 = tpu.memref_slice %arg4[%select_n3A, %multiple_of3A_439, %dma_wait3A_451] : memref<4x102400x128xf32, #tpu.memory_space<hbm>> -> memref<1x128x128xf32, #tpu.memory_space<hbm>>
        %dma_wait3A_453 = tpu.memref_squeeze %dma_wait3A_452 : memref<1x128x128xf32, #tpu.memory_space<hbm>> -> memref<128x128xf32, #tpu.memory_space<hbm>>
        %dma_wait3A_454 = arith.constant 0 : i32
        %dma_wait3A_455 = arith.constant 0 : i32
        %dma_wait3A_456 = tpu.memref_slice %arg6[%dma_wait3A_440, %dma_wait3A_454, %dma_wait3A_455] : memref<5x128x128xf32, #tpu.memory_space<vmem>> -> memref<1x128x128xf32, #tpu.memory_space<vmem>>
        %dma_wait3A_457 = tpu.memref_squeeze %dma_wait3A_456 : memref<1x128x128xf32, #tpu.memory_space<vmem>> -> memref<128x128xf32, #tpu.memory_space<vmem>>
        tpu.wait_dma2 semaphore(%dma_wait3A_450 : memref<!tpu.dma_semaphore, #tpu.memory_space<semaphore_mem>>) src(%dma_wait3A_457 : memref<128x128xf32, #tpu.memory_space<vmem>>) dst(%dma_wait3A_453 : memref<128x128xf32, #tpu.memory_space<hbm>>)
        %add3A_458 = arith.constant 5 : i32
        %add3A_459 = arith.addi %add3A_349, %add3A_458 : i32
        %mul3A_460 = arith.constant 128 : i32
        %mul3A_461 = arith.muli %add3A_459, %mul3A_460 : i32
        %multiple_of3A_462 = tpu.assume_multiple %mul3A_461, 128 : i32
        %dma_start3A_463 = arith.constant 3 : i32
        %dma_start3A_464 = arith.constant 3 : i32
        %dma_start3A_465 = arith.constant 0 : i32
        %dma_start3A_466 = arith.constant 0 : i32
        %dma_start3A_467 = tpu.memref_slice %arg6[%dma_start3A_463, %dma_start3A_465, %dma_start3A_466] : memref<5x128x128xf32, #tpu.memory_space<vmem>> -> memref<1x128x128xf32, #tpu.memory_space<vmem>>
        %dma_start3A_468 = tpu.memref_squeeze %dma_start3A_467 : memref<1x128x128xf32, #tpu.memory_space<vmem>> -> memref<128x128xf32, #tpu.memory_space<vmem>>
        %dma_start3A_469 = tpu.memref_slice %arg5[%multiple_of3A_462] : memref<12800xi32, #tpu.memory_space<vmem>> -> memref<128xi32, #tpu.memory_space<vmem>>
        %dma_start3A_470 = arith.constant 0 : i32
        %dma_start3A_471 = arith.constant 0 : i32
        %dma_start3A_472 = tpu.memref_slice %arg3[%dma_start3A_470, %dma_start3A_471] : memref<100000x128xf32, #tpu.memory_space<hbm>> -> memref<100000x128xf32, #tpu.memory_space<hbm>>
        %dma_start3A_473 = tpu.memref_slice %arg7[%dma_start3A_464] : memref<5x!tpu.dma_semaphore, #tpu.memory_space<semaphore_mem>> -> memref<1x!tpu.dma_semaphore, #tpu.memory_space<semaphore_mem>>
        %dma_start3A_474 = tpu.memref_squeeze %dma_start3A_473 : memref<1x!tpu.dma_semaphore, #tpu.memory_space<semaphore_mem>> -> memref<!tpu.dma_semaphore, #tpu.memory_space<semaphore_mem>>
        tpu.enqueue_indirect_dma source(%dma_start3A_472 : memref<100000x128xf32, #tpu.memory_space<hbm>>) target(%dma_start3A_468 : memref<128x128xf32, #tpu.memory_space<vmem>>) offsets(%dma_start3A_469 : memref<128xi32, #tpu.memory_space<vmem>>) semaphore(%dma_start3A_474 : memref<!tpu.dma_semaphore, #tpu.memory_space<semaphore_mem>>)
      } else {
      }
      %mul3A_391 = arith.constant 5 : i32
      %mul3A_392 = arith.muli %scan3A_212, %mul3A_391 : i32
      %add3A_393 = arith.constant 4 : i32
      %add3A_394 = arith.addi %mul3A_392, %add3A_393 : i32
      %multiple_of3A_395 = arith.constant 0 : i32
      %multiple_of3A_396 = tpu.assume_multiple %multiple_of3A_395, 128 : i32
      %dma_wait3A_397 = arith.constant 4 : i32
      %dma_wait3A_398 = arith.constant 4 : i32
      %dma_wait3A_399 = arith.constant 0 : i32
      %dma_wait3A_400 = arith.constant 0 : i32
      %dma_wait3A_401 = tpu.memref_slice %arg6[%dma_wait3A_397, %dma_wait3A_399, %dma_wait3A_400] : memref<5x128x128xf32, #tpu.memory_space<vmem>> -> memref<1x128x128xf32, #tpu.memory_space<vmem>>
      %dma_wait3A_402 = tpu.memref_squeeze %dma_wait3A_401 : memref<1x128x128xf32, #tpu.memory_space<vmem>> -> memref<128x128xf32, #tpu.memory_space<vmem>>
      %dma_wait3A_403 = tpu.memref_slice %arg5[%multiple_of3A_396] : memref<12800xi32, #tpu.memory_space<vmem>> -> memref<128xi32, #tpu.memory_space<vmem>>
      %dma_wait3A_404 = arith.constant 0 : i32
      %dma_wait3A_405 = arith.constant 0 : i32
      %dma_wait3A_406 = tpu.memref_slice %arg3[%dma_wait3A_404, %dma_wait3A_405] : memref<100000x128xf32, #tpu.memory_space<hbm>> -> memref<100000x128xf32, #tpu.memory_space<hbm>>
      %dma_wait3A_407 = tpu.memref_slice %arg7[%dma_wait3A_398] : memref<5x!tpu.dma_semaphore, #tpu.memory_space<semaphore_mem>> -> memref<1x!tpu.dma_semaphore, #tpu.memory_space<semaphore_mem>>
      %dma_wait3A_408 = tpu.memref_squeeze %dma_wait3A_407 : memref<1x!tpu.dma_semaphore, #tpu.memory_space<semaphore_mem>> -> memref<!tpu.dma_semaphore, #tpu.memory_space<semaphore_mem>>
      tpu.wait_indirect_dma semaphore(%dma_wait3A_408 : memref<!tpu.dma_semaphore, #tpu.memory_space<semaphore_mem>>) src(%dma_wait3A_406 : memref<100000x128xf32, #tpu.memory_space<hbm>>) dst(%dma_wait3A_402 : memref<128x128xf32, #tpu.memory_space<vmem>>)
      %mul3A_409 = arith.constant 128 : i32
      %mul3A_410 = arith.muli %add3A_394, %mul3A_409 : i32
      %add3A_411 = arith.addi %mul3A_32, %mul3A_410 : i32
      %multiple_of3A_412 = tpu.assume_multiple %add3A_411, 128 : i32
      %dma_start3A_413 = arith.constant 4 : i32
      %dma_start3A_414 = arith.constant 4 : i32
      %dma_start3A_415 = arith.constant 0 : i32
      %dma_start3A_416 = arith.constant 0 : i32
      %dma_start3A_417 = tpu.memref_slice %arg6[%dma_start3A_413, %dma_start3A_415, %dma_start3A_416] : memref<5x128x128xf32, #tpu.memory_space<vmem>> -> memref<1x128x128xf32, #tpu.memory_space<vmem>>
      %dma_start3A_418 = tpu.memref_squeeze %dma_start3A_417 : memref<1x128x128xf32, #tpu.memory_space<vmem>> -> memref<128x128xf32, #tpu.memory_space<vmem>>
      %dma_start3A_419 = arith.constant 0 : i32
      %dma_start3A_420 = tpu.memref_slice %arg4[%select_n3A, %multiple_of3A_412, %dma_start3A_419] : memref<4x102400x128xf32, #tpu.memory_space<hbm>> -> memref<1x128x128xf32, #tpu.memory_space<hbm>>
      %dma_start3A_421 = tpu.memref_squeeze %dma_start3A_420 : memref<1x128x128xf32, #tpu.memory_space<hbm>> -> memref<128x128xf32, #tpu.memory_space<hbm>>
      %dma_start3A_422 = tpu.memref_slice %arg8[%dma_start3A_414] : memref<5x!tpu.dma_semaphore, #tpu.memory_space<semaphore_mem>> -> memref<1x!tpu.dma_semaphore, #tpu.memory_space<semaphore_mem>>
      %dma_start3A_423 = tpu.memref_squeeze %dma_start3A_422 : memref<1x!tpu.dma_semaphore, #tpu.memory_space<semaphore_mem>> -> memref<!tpu.dma_semaphore, #tpu.memory_space<semaphore_mem>>
      %dma_start3A_424 = arith.constant 0 : i32
      %dma_start3A_425 = tpu.memref_slice %arg4[%select_n3A, %multiple_of3A_412, %dma_start3A_424] : memref<4x102400x128xf32, #tpu.memory_space<hbm>> -> memref<1x128x128xf32, #tpu.memory_space<hbm>>
      %dma_start3A_426 = tpu.memref_squeeze %dma_start3A_425 : memref<1x128x128xf32, #tpu.memory_space<hbm>> -> memref<128x128xf32, #tpu.memory_space<hbm>>
      %dma_start3A_427 = arith.constant 0 : i32
      %dma_start3A_428 = arith.constant 0 : i32
      %dma_start3A_429 = tpu.memref_slice %arg6[%dma_start3A_413, %dma_start3A_427, %dma_start3A_428] : memref<5x128x128xf32, #tpu.memory_space<vmem>> -> memref<1x128x128xf32, #tpu.memory_space<vmem>>
      %dma_start3A_430 = tpu.memref_squeeze %dma_start3A_429 : memref<1x128x128xf32, #tpu.memory_space<vmem>> -> memref<128x128xf32, #tpu.memory_space<vmem>>
      tpu.enqueue_dma source(%dma_start3A_430 : memref<128x128xf32, #tpu.memory_space<vmem>>) target(%dma_start3A_426 : memref<128x128xf32, #tpu.memory_space<hbm>>) target_semaphore(%dma_start3A_423 : memref<!tpu.dma_semaphore, #tpu.memory_space<semaphore_mem>>)
      %lt3A_431 = arith.constant 19 : i32
      %lt3A_432 = arith.cmpi slt, %scan3A_212, %lt3A_431 : i32
      %convert_element_type3A_433 = arith.extui %lt3A_432 : i1 to i32
      %cond3A_434 = arith.constant 0 : i32
      %cond3A_435 = arith.cmpi ne, %convert_element_type3A_433, %cond3A_434 : i32
      scf.if %cond3A_435 {
        %mul3A_436 = arith.constant 128 : i32
        %mul3A_437 = arith.muli %add3A_394, %mul3A_436 : i32
        %add3A_438 = arith.addi %mul3A_32, %mul3A_437 : i32
        %multiple_of3A_439 = tpu.assume_multiple %add3A_438, 128 : i32
        %dma_wait3A_440 = arith.constant 4 : i32
        %dma_wait3A_441 = arith.constant 4 : i32
        %dma_wait3A_442 = arith.constant 0 : i32
        %dma_wait3A_443 = arith.constant 0 : i32
        %dma_wait3A_444 = tpu.memref_slice %arg6[%dma_wait3A_440, %dma_wait3A_442, %dma_wait3A_443] : memref<5x128x128xf32, #tpu.memory_space<vmem>> -> memref<1x128x128xf32, #tpu.memory_space<vmem>>
        %dma_wait3A_445 = tpu.memref_squeeze %dma_wait3A_444 : memref<1x128x128xf32, #tpu.memory_space<vmem>> -> memref<128x128xf32, #tpu.memory_space<vmem>>
        %dma_wait3A_446 = arith.constant 0 : i32
        %dma_wait3A_447 = tpu.memref_slice %arg4[%select_n3A, %multiple_of3A_439, %dma_wait3A_446] : memref<4x102400x128xf32, #tpu.memory_space<hbm>> -> memref<1x128x128xf32, #tpu.memory_space<hbm>>
        %dma_wait3A_448 = tpu.memref_squeeze %dma_wait3A_447 : memref<1x128x128xf32, #tpu.memory_space<hbm>> -> memref<128x128xf32, #tpu.memory_space<hbm>>
        %dma_wait3A_449 = tpu.memref_slice %arg8[%dma_wait3A_441] : memref<5x!tpu.dma_semaphore, #tpu.memory_space<semaphore_mem>> -> memref<1x!tpu.dma_semaphore, #tpu.memory_space<semaphore_mem>>
        %dma_wait3A_450 = tpu.memref_squeeze %dma_wait3A_449 : memref<1x!tpu.dma_semaphore, #tpu.memory_space<semaphore_mem>> -> memref<!tpu.dma_semaphore, #tpu.memory_space<semaphore_mem>>
        %dma_wait3A_451 = arith.constant 0 : i32
        %dma_wait3A_452 = tpu.memref_slice %arg4[%select_n3A, %multiple_of3A_439, %dma_wait3A_451] : memref<4x102400x128xf32, #tpu.memory_space<hbm>> -> memref<1x128x128xf32, #tpu.memory_space<hbm>>
        %dma_wait3A_453 = tpu.memref_squeeze %dma_wait3A_452 : memref<1x128x128xf32, #tpu.memory_space<hbm>> -> memref<128x128xf32, #tpu.memory_space<hbm>>
        %dma_wait3A_454 = arith.constant 0 : i32
        %dma_wait3A_455 = arith.constant 0 : i32
        %dma_wait3A_456 = tpu.memref_slice %arg6[%dma_wait3A_440, %dma_wait3A_454, %dma_wait3A_455] : memref<5x128x128xf32, #tpu.memory_space<vmem>> -> memref<1x128x128xf32, #tpu.memory_space<vmem>>
        %dma_wait3A_457 = tpu.memref_squeeze %dma_wait3A_456 : memref<1x128x128xf32, #tpu.memory_space<vmem>> -> memref<128x128xf32, #tpu.memory_space<vmem>>
        tpu.wait_dma2 semaphore(%dma_wait3A_450 : memref<!tpu.dma_semaphore, #tpu.memory_space<semaphore_mem>>) src(%dma_wait3A_457 : memref<128x128xf32, #tpu.memory_space<vmem>>) dst(%dma_wait3A_453 : memref<128x128xf32, #tpu.memory_space<hbm>>)
        %add3A_458 = arith.constant 5 : i32
        %add3A_459 = arith.addi %add3A_394, %add3A_458 : i32
        %mul3A_460 = arith.constant 128 : i32
        %mul3A_461 = arith.muli %add3A_459, %mul3A_460 : i32
        %multiple_of3A_462 = tpu.assume_multiple %mul3A_461, 128 : i32
        %dma_start3A_463 = arith.constant 4 : i32
        %dma_start3A_464 = arith.constant 4 : i32
        %dma_start3A_465 = arith.constant 0 : i32
        %dma_start3A_466 = arith.constant 0 : i32
        %dma_start3A_467 = tpu.memref_slice %arg6[%dma_start3A_463, %dma_start3A_465, %dma_start3A_466] : memref<5x128x128xf32, #tpu.memory_space<vmem>> -> memref<1x128x128xf32, #tpu.memory_space<vmem>>
        %dma_start3A_468 = tpu.memref_squeeze %dma_start3A_467 : memref<1x128x128xf32, #tpu.memory_space<vmem>> -> memref<128x128xf32, #tpu.memory_space<vmem>>
        %dma_start3A_469 = tpu.memref_slice %arg5[%multiple_of3A_462] : memref<12800xi32, #tpu.memory_space<vmem>> -> memref<128xi32, #tpu.memory_space<vmem>>
        %dma_start3A_470 = arith.constant 0 : i32
        %dma_start3A_471 = arith.constant 0 : i32
        %dma_start3A_472 = tpu.memref_slice %arg3[%dma_start3A_470, %dma_start3A_471] : memref<100000x128xf32, #tpu.memory_space<hbm>> -> memref<100000x128xf32, #tpu.memory_space<hbm>>
        %dma_start3A_473 = tpu.memref_slice %arg7[%dma_start3A_464] : memref<5x!tpu.dma_semaphore, #tpu.memory_space<semaphore_mem>> -> memref<1x!tpu.dma_semaphore, #tpu.memory_space<semaphore_mem>>
        %dma_start3A_474 = tpu.memref_squeeze %dma_start3A_473 : memref<1x!tpu.dma_semaphore, #tpu.memory_space<semaphore_mem>> -> memref<!tpu.dma_semaphore, #tpu.memory_space<semaphore_mem>>
        tpu.enqueue_indirect_dma source(%dma_start3A_472 : memref<100000x128xf32, #tpu.memory_space<hbm>>) target(%dma_start3A_468 : memref<128x128xf32, #tpu.memory_space<vmem>>) offsets(%dma_start3A_469 : memref<128xi32, #tpu.memory_space<vmem>>) semaphore(%dma_start3A_474 : memref<!tpu.dma_semaphore, #tpu.memory_space<semaphore_mem>>)
      } else {
      }
    }
    %scan3A_107 = arith.constant 20 : i32
    %add3A_108 = arith.constant 12160 : i32
    %add3A_109 = arith.addi %mul3A_32, %add3A_108 : i32
    %multiple_of3A_110 = tpu.assume_multiple %add3A_109, 128 : i32
    %dma_wait3A = arith.constant 0 : i32
    %dma_wait3A_111 = arith.constant 0 : i32
    %dma_wait3A_112 = arith.constant 0 : i32
    %dma_wait3A_113 = arith.constant 0 : i32
    %dma_wait3A_114 = tpu.memref_slice %arg6[%dma_wait3A, %dma_wait3A_112, %dma_wait3A_113] : memref<5x128x128xf32, #tpu.memory_space<vmem>> -> memref<1x128x128xf32, #tpu.memory_space<vmem>>
    %dma_wait3A_115 = tpu.memref_squeeze %dma_wait3A_114 : memref<1x128x128xf32, #tpu.memory_space<vmem>> -> memref<128x128xf32, #tpu.memory_space<vmem>>
    %dma_wait3A_116 = arith.constant 0 : i32
    %dma_wait3A_117 = tpu.memref_slice %arg4[%select_n3A, %multiple_of3A_110, %dma_wait3A_116] : memref<4x102400x128xf32, #tpu.memory_space<hbm>> -> memref<1x128x128xf32, #tpu.memory_space<hbm>>
    %dma_wait3A_118 = tpu.memref_squeeze %dma_wait3A_117 : memref<1x128x128xf32, #tpu.memory_space<hbm>> -> memref<128x128xf32, #tpu.memory_space<hbm>>
    %dma_wait3A_119 = tpu.memref_slice %arg8[%dma_wait3A_111] : memref<5x!tpu.dma_semaphore, #tpu.memory_space<semaphore_mem>> -> memref<1x!tpu.dma_semaphore, #tpu.memory_space<semaphore_mem>>
    %dma_wait3A_120 = tpu.memref_squeeze %dma_wait3A_119 : memref<1x!tpu.dma_semaphore, #tpu.memory_space<semaphore_mem>> -> memref<!tpu.dma_semaphore, #tpu.memory_space<semaphore_mem>>
    %dma_wait3A_121 = arith.constant 0 : i32
    %dma_wait3A_122 = tpu.memref_slice %arg4[%select_n3A, %multiple_of3A_110, %dma_wait3A_121] : memref<4x102400x128xf32, #tpu.memory_space<hbm>> -> memref<1x128x128xf32, #tpu.memory_space<hbm>>
    %dma_wait3A_123 = tpu.memref_squeeze %dma_wait3A_122 : memref<1x128x128xf32, #tpu.memory_space<hbm>> -> memref<128x128xf32, #tpu.memory_space<hbm>>
    %dma_wait3A_124 = arith.constant 0 : i32
    %dma_wait3A_125 = arith.constant 0 : i32
    %dma_wait3A_126 = tpu.memref_slice %arg6[%dma_wait3A, %dma_wait3A_124, %dma_wait3A_125] : memref<5x128x128xf32, #tpu.memory_space<vmem>> -> memref<1x128x128xf32, #tpu.memory_space<vmem>>
    %dma_wait3A_127 = tpu.memref_squeeze %dma_wait3A_126 : memref<1x128x128xf32, #tpu.memory_space<vmem>> -> memref<128x128xf32, #tpu.memory_space<vmem>>
    tpu.wait_dma2 semaphore(%dma_wait3A_120 : memref<!tpu.dma_semaphore, #tpu.memory_space<semaphore_mem>>) src(%dma_wait3A_127 : memref<128x128xf32, #tpu.memory_space<vmem>>) dst(%dma_wait3A_123 : memref<128x128xf32, #tpu.memory_space<hbm>>)
    %add3A_128 = arith.constant 12288 : i32
    %add3A_129 = arith.addi %mul3A_32, %add3A_128 : i32
    %multiple_of3A_130 = tpu.assume_multiple %add3A_129, 128 : i32
    %dma_wait3A_131 = arith.constant 1 : i32
    %dma_wait3A_132 = arith.constant 1 : i32
    %dma_wait3A_133 = arith.constant 0 : i32
    %dma_wait3A_134 = arith.constant 0 : i32
    %dma_wait3A_135 = tpu.memref_slice %arg6[%dma_wait3A_131, %dma_wait3A_133, %dma_wait3A_134] : memref<5x128x128xf32, #tpu.memory_space<vmem>> -> memref<1x128x128xf32, #tpu.memory_space<vmem>>
    %dma_wait3A_136 = tpu.memref_squeeze %dma_wait3A_135 : memref<1x128x128xf32, #tpu.memory_space<vmem>> -> memref<128x128xf32, #tpu.memory_space<vmem>>
    %dma_wait3A_137 = arith.constant 0 : i32
    %dma_wait3A_138 = tpu.memref_slice %arg4[%select_n3A, %multiple_of3A_130, %dma_wait3A_137] : memref<4x102400x128xf32, #tpu.memory_space<hbm>> -> memref<1x128x128xf32, #tpu.memory_space<hbm>>
    %dma_wait3A_139 = tpu.memref_squeeze %dma_wait3A_138 : memref<1x128x128xf32, #tpu.memory_space<hbm>> -> memref<128x128xf32, #tpu.memory_space<hbm>>
    %dma_wait3A_140 = tpu.memref_slice %arg8[%dma_wait3A_132] : memref<5x!tpu.dma_semaphore, #tpu.memory_space<semaphore_mem>> -> memref<1x!tpu.dma_semaphore, #tpu.memory_space<semaphore_mem>>
    %dma_wait3A_141 = tpu.memref_squeeze %dma_wait3A_140 : memref<1x!tpu.dma_semaphore, #tpu.memory_space<semaphore_mem>> -> memref<!tpu.dma_semaphore, #tpu.memory_space<semaphore_mem>>
    %dma_wait3A_142 = arith.constant 0 : i32
    %dma_wait3A_143 = tpu.memref_slice %arg4[%select_n3A, %multiple_of3A_130, %dma_wait3A_142] : memref<4x102400x128xf32, #tpu.memory_space<hbm>> -> memref<1x128x128xf32, #tpu.memory_space<hbm>>
    %dma_wait3A_144 = tpu.memref_squeeze %dma_wait3A_143 : memref<1x128x128xf32, #tpu.memory_space<hbm>> -> memref<128x128xf32, #tpu.memory_space<hbm>>
    %dma_wait3A_145 = arith.constant 0 : i32
    %dma_wait3A_146 = arith.constant 0 : i32
    %dma_wait3A_147 = tpu.memref_slice %arg6[%dma_wait3A_131, %dma_wait3A_145, %dma_wait3A_146] : memref<5x128x128xf32, #tpu.memory_space<vmem>> -> memref<1x128x128xf32, #tpu.memory_space<vmem>>
    %dma_wait3A_148 = tpu.memref_squeeze %dma_wait3A_147 : memref<1x128x128xf32, #tpu.memory_space<vmem>> -> memref<128x128xf32, #tpu.memory_space<vmem>>
    tpu.wait_dma2 semaphore(%dma_wait3A_141 : memref<!tpu.dma_semaphore, #tpu.memory_space<semaphore_mem>>) src(%dma_wait3A_148 : memref<128x128xf32, #tpu.memory_space<vmem>>) dst(%dma_wait3A_144 : memref<128x128xf32, #tpu.memory_space<hbm>>)
    %add3A_149 = arith.constant 12416 : i32
    %add3A_150 = arith.addi %mul3A_32, %add3A_149 : i32
    %multiple_of3A_151 = tpu.assume_multiple %add3A_150, 128 : i32
    %dma_wait3A_152 = arith.constant 2 : i32
    %dma_wait3A_153 = arith.constant 2 : i32
    %dma_wait3A_154 = arith.constant 0 : i32
    %dma_wait3A_155 = arith.constant 0 : i32
    %dma_wait3A_156 = tpu.memref_slice %arg6[%dma_wait3A_152, %dma_wait3A_154, %dma_wait3A_155] : memref<5x128x128xf32, #tpu.memory_space<vmem>> -> memref<1x128x128xf32, #tpu.memory_space<vmem>>
    %dma_wait3A_157 = tpu.memref_squeeze %dma_wait3A_156 : memref<1x128x128xf32, #tpu.memory_space<vmem>> -> memref<128x128xf32, #tpu.memory_space<vmem>>
    %dma_wait3A_158 = arith.constant 0 : i32
    %dma_wait3A_159 = tpu.memref_slice %arg4[%select_n3A, %multiple_of3A_151, %dma_wait3A_158] : memref<4x102400x128xf32, #tpu.memory_space<hbm>> -> memref<1x128x128xf32, #tpu.memory_space<hbm>>
    %dma_wait3A_160 = tpu.memref_squeeze %dma_wait3A_159 : memref<1x128x128xf32, #tpu.memory_space<hbm>> -> memref<128x128xf32, #tpu.memory_space<hbm>>
    %dma_wait3A_161 = tpu.memref_slice %arg8[%dma_wait3A_153] : memref<5x!tpu.dma_semaphore, #tpu.memory_space<semaphore_mem>> -> memref<1x!tpu.dma_semaphore, #tpu.memory_space<semaphore_mem>>
    %dma_wait3A_162 = tpu.memref_squeeze %dma_wait3A_161 : memref<1x!tpu.dma_semaphore, #tpu.memory_space<semaphore_mem>> -> memref<!tpu.dma_semaphore, #tpu.memory_space<semaphore_mem>>
    %dma_wait3A_163 = arith.constant 0 : i32
    %dma_wait3A_164 = tpu.memref_slice %arg4[%select_n3A, %multiple_of3A_151, %dma_wait3A_163] : memref<4x102400x128xf32, #tpu.memory_space<hbm>> -> memref<1x128x128xf32, #tpu.memory_space<hbm>>
    %dma_wait3A_165 = tpu.memref_squeeze %dma_wait3A_164 : memref<1x128x128xf32, #tpu.memory_space<hbm>> -> memref<128x128xf32, #tpu.memory_space<hbm>>
    %dma_wait3A_166 = arith.constant 0 : i32
    %dma_wait3A_167 = arith.constant 0 : i32
    %dma_wait3A_168 = tpu.memref_slice %arg6[%dma_wait3A_152, %dma_wait3A_166, %dma_wait3A_167] : memref<5x128x128xf32, #tpu.memory_space<vmem>> -> memref<1x128x128xf32, #tpu.memory_space<vmem>>
    %dma_wait3A_169 = tpu.memref_squeeze %dma_wait3A_168 : memref<1x128x128xf32, #tpu.memory_space<vmem>> -> memref<128x128xf32, #tpu.memory_space<vmem>>
    tpu.wait_dma2 semaphore(%dma_wait3A_162 : memref<!tpu.dma_semaphore, #tpu.memory_space<semaphore_mem>>) src(%dma_wait3A_169 : memref<128x128xf32, #tpu.memory_space<vmem>>) dst(%dma_wait3A_165 : memref<128x128xf32, #tpu.memory_space<hbm>>)
    %add3A_170 = arith.constant 12544 : i32
    %add3A_171 = arith.addi %mul3A_32, %add3A_170 : i32
    %multiple_of3A_172 = tpu.assume_multiple %add3A_171, 128 : i32
    %dma_wait3A_173 = arith.constant 3 : i32
    %dma_wait3A_174 = arith.constant 3 : i32
    %dma_wait3A_175 = arith.constant 0 : i32
    %dma_wait3A_176 = arith.constant 0 : i32
    %dma_wait3A_177 = tpu.memref_slice %arg6[%dma_wait3A_173, %dma_wait3A_175, %dma_wait3A_176] : memref<5x128x128xf32, #tpu.memory_space<vmem>> -> memref<1x128x128xf32, #tpu.memory_space<vmem>>
    %dma_wait3A_178 = tpu.memref_squeeze %dma_wait3A_177 : memref<1x128x128xf32, #tpu.memory_space<vmem>> -> memref<128x128xf32, #tpu.memory_space<vmem>>
    %dma_wait3A_179 = arith.constant 0 : i32
    %dma_wait3A_180 = tpu.memref_slice %arg4[%select_n3A, %multiple_of3A_172, %dma_wait3A_179] : memref<4x102400x128xf32, #tpu.memory_space<hbm>> -> memref<1x128x128xf32, #tpu.memory_space<hbm>>
    %dma_wait3A_181 = tpu.memref_squeeze %dma_wait3A_180 : memref<1x128x128xf32, #tpu.memory_space<hbm>> -> memref<128x128xf32, #tpu.memory_space<hbm>>
    %dma_wait3A_182 = tpu.memref_slice %arg8[%dma_wait3A_174] : memref<5x!tpu.dma_semaphore, #tpu.memory_space<semaphore_mem>> -> memref<1x!tpu.dma_semaphore, #tpu.memory_space<semaphore_mem>>
    %dma_wait3A_183 = tpu.memref_squeeze %dma_wait3A_182 : memref<1x!tpu.dma_semaphore, #tpu.memory_space<semaphore_mem>> -> memref<!tpu.dma_semaphore, #tpu.memory_space<semaphore_mem>>
    %dma_wait3A_184 = arith.constant 0 : i32
    %dma_wait3A_185 = tpu.memref_slice %arg4[%select_n3A, %multiple_of3A_172, %dma_wait3A_184] : memref<4x102400x128xf32, #tpu.memory_space<hbm>> -> memref<1x128x128xf32, #tpu.memory_space<hbm>>
    %dma_wait3A_186 = tpu.memref_squeeze %dma_wait3A_185 : memref<1x128x128xf32, #tpu.memory_space<hbm>> -> memref<128x128xf32, #tpu.memory_space<hbm>>
    %dma_wait3A_187 = arith.constant 0 : i32
    %dma_wait3A_188 = arith.constant 0 : i32
    %dma_wait3A_189 = tpu.memref_slice %arg6[%dma_wait3A_173, %dma_wait3A_187, %dma_wait3A_188] : memref<5x128x128xf32, #tpu.memory_space<vmem>> -> memref<1x128x128xf32, #tpu.memory_space<vmem>>
    %dma_wait3A_190 = tpu.memref_squeeze %dma_wait3A_189 : memref<1x128x128xf32, #tpu.memory_space<vmem>> -> memref<128x128xf32, #tpu.memory_space<vmem>>
    tpu.wait_dma2 semaphore(%dma_wait3A_183 : memref<!tpu.dma_semaphore, #tpu.memory_space<semaphore_mem>>) src(%dma_wait3A_190 : memref<128x128xf32, #tpu.memory_space<vmem>>) dst(%dma_wait3A_186 : memref<128x128xf32, #tpu.memory_space<hbm>>)
    %add3A_191 = arith.constant 12672 : i32
    %add3A_192 = arith.addi %mul3A_32, %add3A_191 : i32
    %multiple_of3A_193 = tpu.assume_multiple %add3A_192, 128 : i32
    %dma_wait3A_194 = arith.constant 4 : i32
    %dma_wait3A_195 = arith.constant 4 : i32
    %dma_wait3A_196 = arith.constant 0 : i32
    %dma_wait3A_197 = arith.constant 0 : i32
    %dma_wait3A_198 = tpu.memref_slice %arg6[%dma_wait3A_194, %dma_wait3A_196, %dma_wait3A_197] : memref<5x128x128xf32, #tpu.memory_space<vmem>> -> memref<1x128x128xf32, #tpu.memory_space<vmem>>
    %dma_wait3A_199 = tpu.memref_squeeze %dma_wait3A_198 : memref<1x128x128xf32, #tpu.memory_space<vmem>> -> memref<128x128xf32, #tpu.memory_space<vmem>>
    %dma_wait3A_200 = arith.constant 0 : i32
    %dma_wait3A_201 = tpu.memref_slice %arg4[%select_n3A, %multiple_of3A_193, %dma_wait3A_200] : memref<4x102400x128xf32, #tpu.memory_space<hbm>> -> memref<1x128x128xf32, #tpu.memory_space<hbm>>
    %dma_wait3A_202 = tpu.memref_squeeze %dma_wait3A_201 : memref<1x128x128xf32, #tpu.memory_space<hbm>> -> memref<128x128xf32, #tpu.memory_space<hbm>>
    %dma_wait3A_203 = tpu.memref_slice %arg8[%dma_wait3A_195] : memref<5x!tpu.dma_semaphore, #tpu.memory_space<semaphore_mem>> -> memref<1x!tpu.dma_semaphore, #tpu.memory_space<semaphore_mem>>
    %dma_wait3A_204 = tpu.memref_squeeze %dma_wait3A_203 : memref<1x!tpu.dma_semaphore, #tpu.memory_space<semaphore_mem>> -> memref<!tpu.dma_semaphore, #tpu.memory_space<semaphore_mem>>
    %dma_wait3A_205 = arith.constant 0 : i32
    %dma_wait3A_206 = tpu.memref_slice %arg4[%select_n3A, %multiple_of3A_193, %dma_wait3A_205] : memref<4x102400x128xf32, #tpu.memory_space<hbm>> -> memref<1x128x128xf32, #tpu.memory_space<hbm>>
    %dma_wait3A_207 = tpu.memref_squeeze %dma_wait3A_206 : memref<1x128x128xf32, #tpu.memory_space<hbm>> -> memref<128x128xf32, #tpu.memory_space<hbm>>
    %dma_wait3A_208 = arith.constant 0 : i32
    %dma_wait3A_209 = arith.constant 0 : i32
    %dma_wait3A_210 = tpu.memref_slice %arg6[%dma_wait3A_194, %dma_wait3A_208, %dma_wait3A_209] : memref<5x128x128xf32, #tpu.memory_space<vmem>> -> memref<1x128x128xf32, #tpu.memory_space<vmem>>
    %dma_wait3A_211 = tpu.memref_squeeze %dma_wait3A_210 : memref<1x128x128xf32, #tpu.memory_space<vmem>> -> memref<128x128xf32, #tpu.memory_space<vmem>>
    tpu.wait_dma2 semaphore(%dma_wait3A_204 : memref<!tpu.dma_semaphore, #tpu.memory_space<semaphore_mem>>) src(%dma_wait3A_211 : memref<128x128xf32, #tpu.memory_space<vmem>>) dst(%dma_wait3A_207 : memref<128x128xf32, #tpu.memory_space<hbm>>)
    return
  }
}

module attributes {stable_mosaic.version = 14 : i64} {
  func.func @_tc_fused_body(%arg0: i32, %arg1: memref<1024x128xf32, #tpu.memory_space<vmem>>, %arg2: memref<4x1024x128xf32, #tpu.memory_space<vmem>>, %arg3: memref<4x1024xf32, #tpu.memory_space<vmem>>, %arg4: memref<640x128xf32, #tpu.memory_space<vmem>>, %arg5: memref<1x128xf32, #tpu.memory_space<vmem>>, %arg6: memref<1x128xf32, #tpu.memory_space<vmem>>, %arg7: memref<1x128xf32, #tpu.memory_space<vmem>>, %arg8: memref<1024x128xf32, #tpu.memory_space<vmem>>) attributes {dimension_semantics = [#tpu.dimension_semantics<arbitrary>], iteration_bounds = array<i64: 98>, scalar_prefetch = 0 : i64, scratch_operands = 0 : i64, tpu.core_type = #tpu.core_type<tc>, window_params = [{transform_indices = @transform_0, window_bounds = array<i64: 1024, 128>}, {transform_indices = @transform_1, window_bounds = array<i64: 4, 1024, 128>}, {transform_indices = @transform_2, window_bounds = array<i64: 4, 1024>}, {pipeline_mode = #tpu.pipeline_mode<synchronous>, transform_indices = @transform_3, window_bounds = array<i64: 640, 128>}, {pipeline_mode = #tpu.pipeline_mode<synchronous>, transform_indices = @transform_4, window_bounds = array<i64: 1, 128>}, {pipeline_mode = #tpu.pipeline_mode<synchronous>, transform_indices = @transform_5, window_bounds = array<i64: 1, 128>}, {pipeline_mode = #tpu.pipeline_mode<synchronous>, transform_indices = @transform_6, window_bounds = array<i64: 1, 128>}, {transform_indices = @transform_7, window_bounds = array<i64: 1024, 128>}]} {
    %get3A = arith.constant 0 : index
    %get3A_0 = arith.constant 0 : index
    %get3A_1 = vector.load %arg1[%get3A, %get3A_0] : memref<1024x128xf32, #tpu.memory_space<vmem>>, vector<1024x128xf32>
    %get3A_2 = arith.constant 0 : index
    %get3A_3 = arith.constant 0 : index
    %get3A_4 = vector.load %arg3[%get3A_2, %get3A_3] : memref<4x1024xf32, #tpu.memory_space<vmem>>, vector<4x1024xf32>
    %get3A_5 = arith.constant 0 : index
    %get3A_6 = arith.constant 0 : index
    %get3A_7 = arith.constant 0 : index
    %get3A_8 = vector.load %arg2[%get3A_5, %get3A_6, %get3A_7] : memref<4x1024x128xf32, #tpu.memory_space<vmem>>, vector<1x1024x128xf32>
    %get3A_9 = vector.shape_cast %get3A_8 : vector<1x1024x128xf32> to vector<1024x128xf32>
    %slice3A = vector.extract_strided_slice %get3A_4 {offsets = [0, 0], sizes = [1, 1024], strides = [1, 1]} : vector<4x1024xf32> to vector<1x1024xf32>
    %squeeze3A = vector.shape_cast %slice3A : vector<1x1024xf32> to vector<1024xf32>
    %broadcast_in_dim3A = vector.shape_cast %squeeze3A : vector<1024xf32> to vector<1024x1xf32>
    %mul3A = vector.broadcast %broadcast_in_dim3A : vector<1024x1xf32> to vector<1024x128xf32>
    %mul3A_10 = arith.mulf %get3A_9, %mul3A : vector<1024x128xf32>
    %get3A_11 = arith.constant 1 : index
    %get3A_12 = arith.constant 0 : index
    %get3A_13 = arith.constant 0 : index
    %get3A_14 = vector.load %arg2[%get3A_11, %get3A_12, %get3A_13] : memref<4x1024x128xf32, #tpu.memory_space<vmem>>, vector<1x1024x128xf32>
    %get3A_15 = vector.shape_cast %get3A_14 : vector<1x1024x128xf32> to vector<1024x128xf32>
    %slice3A_16 = vector.extract_strided_slice %get3A_4 {offsets = [1, 0], sizes = [1, 1024], strides = [1, 1]} : vector<4x1024xf32> to vector<1x1024xf32>
    %squeeze3A_17 = vector.shape_cast %slice3A_16 : vector<1x1024xf32> to vector<1024xf32>
    %broadcast_in_dim3A_18 = vector.shape_cast %squeeze3A_17 : vector<1024xf32> to vector<1024x1xf32>
    %mul3A_19 = vector.broadcast %broadcast_in_dim3A_18 : vector<1024x1xf32> to vector<1024x128xf32>
    %mul3A_20 = arith.mulf %get3A_15, %mul3A_19 : vector<1024x128xf32>
    %get3A_21 = arith.constant 2 : index
    %get3A_22 = arith.constant 0 : index
    %get3A_23 = arith.constant 0 : index
    %get3A_24 = vector.load %arg2[%get3A_21, %get3A_22, %get3A_23] : memref<4x1024x128xf32, #tpu.memory_space<vmem>>, vector<1x1024x128xf32>
    %get3A_25 = vector.shape_cast %get3A_24 : vector<1x1024x128xf32> to vector<1024x128xf32>
    %slice3A_26 = vector.extract_strided_slice %get3A_4 {offsets = [2, 0], sizes = [1, 1024], strides = [1, 1]} : vector<4x1024xf32> to vector<1x1024xf32>
    %squeeze3A_27 = vector.shape_cast %slice3A_26 : vector<1x1024xf32> to vector<1024xf32>
    %broadcast_in_dim3A_28 = vector.shape_cast %squeeze3A_27 : vector<1024xf32> to vector<1024x1xf32>
    %mul3A_29 = vector.broadcast %broadcast_in_dim3A_28 : vector<1024x1xf32> to vector<1024x128xf32>
    %mul3A_30 = arith.mulf %get3A_25, %mul3A_29 : vector<1024x128xf32>
    %get3A_31 = arith.constant 3 : index
    %get3A_32 = arith.constant 0 : index
    %get3A_33 = arith.constant 0 : index
    %get3A_34 = vector.load %arg2[%get3A_31, %get3A_32, %get3A_33] : memref<4x1024x128xf32, #tpu.memory_space<vmem>>, vector<1x1024x128xf32>
    %get3A_35 = vector.shape_cast %get3A_34 : vector<1x1024x128xf32> to vector<1024x128xf32>
    %slice3A_36 = vector.extract_strided_slice %get3A_4 {offsets = [3, 0], sizes = [1, 1024], strides = [1, 1]} : vector<4x1024xf32> to vector<1x1024xf32>
    %squeeze3A_37 = vector.shape_cast %slice3A_36 : vector<1x1024xf32> to vector<1024xf32>
    %broadcast_in_dim3A_38 = vector.shape_cast %squeeze3A_37 : vector<1024xf32> to vector<1024x1xf32>
    %mul3A_39 = vector.broadcast %broadcast_in_dim3A_38 : vector<1024x1xf32> to vector<1024x128xf32>
    %mul3A_40 = arith.mulf %get3A_35, %mul3A_39 : vector<1024x128xf32>
    %sub3A = arith.subf %mul3A_10, %mul3A_30 : vector<1024x128xf32>
    %abs3A = math.absf %sub3A : vector<1024x128xf32>
    %add3A = arith.addf %mul3A_10, %mul3A_30 : vector<1024x128xf32>
    %sub3A_41 = arith.subf %mul3A_20, %mul3A_40 : vector<1024x128xf32>
    %abs3A_42 = math.absf %sub3A_41 : vector<1024x128xf32>
    %add3A_43 = arith.addf %mul3A_20, %mul3A_40 : vector<1024x128xf32>
    %concatenate3A = tpu.concatenate %get3A_1, %abs3A, %add3A, %abs3A_42, %add3A_43 in 1 : vector<1024x128xf32>, vector<1024x128xf32>, vector<1024x128xf32>, vector<1024x128xf32>, vector<1024x128xf32> -> vector<1024x640xf32>
    %get3A_44 = arith.constant 0 : index
    %get3A_45 = arith.constant 0 : index
    %get3A_46 = vector.load %arg4[%get3A_44, %get3A_45] : memref<640x128xf32, #tpu.memory_space<vmem>>, vector<640x128xf32>
    %dot_general3A = arith.constant dense<0.000000e+00> : vector<1024x128xf32>
    %dot_general3A_47 = tpu.matmul %concatenate3A, %get3A_46, %dot_general3A {dimension_numbers = #tpu.dot_dimension_numbers<[1], [0], [0], [1], [0, 0, 1, 1], [], []>, transpose_lhs_hint = false} : vector<1024x640xf32>, vector<640x128xf32>, vector<1024x128xf32> -> vector<1024x128xf32>
    %get3A_48 = arith.constant 0 : index
    %get3A_49 = arith.constant 0 : index
    %get3A_50 = vector.load %arg5[%get3A_48, %get3A_49] : memref<1x128xf32, #tpu.memory_space<vmem>>, vector<1x128xf32>
    %add3A_51 = vector.broadcast %get3A_50 : vector<1x128xf32> to vector<1024x128xf32>
    %add3A_52 = arith.addf %dot_general3A_47, %add3A_51 : vector<1024x128xf32>
    %reduce_sum3A = arith.constant dense<0.000000e+00> : vector<1024xf32>
    %reduce_sum3A_53 = vector.multi_reduction <add>, %add3A_52, %reduce_sum3A [1] : vector<1024x128xf32> to vector<1024xf32>
    %broadcast_in_dim3A_54 = vector.shape_cast %reduce_sum3A_53 : vector<1024xf32> to vector<1024x1xf32>
    %div3A = arith.constant 1.280000e+02 : f32
    %div3A_55 = vector.broadcast %div3A : f32 to vector<1024x1xf32>
    %div3A_56 = arith.divf %broadcast_in_dim3A_54, %div3A_55 : vector<1024x1xf32>
    %sub3A_57 = vector.broadcast %div3A_56 : vector<1024x1xf32> to vector<1024x128xf32>
    %sub3A_58 = arith.subf %add3A_52, %sub3A_57 : vector<1024x128xf32>
    %mul3A_59 = arith.mulf %sub3A_58, %sub3A_58 : vector<1024x128xf32>
    %reduce_sum3A_60 = arith.constant dense<0.000000e+00> : vector<1024xf32>
    %reduce_sum3A_61 = vector.multi_reduction <add>, %mul3A_59, %reduce_sum3A_60 [1] : vector<1024x128xf32> to vector<1024xf32>
    %broadcast_in_dim3A_62 = vector.shape_cast %reduce_sum3A_61 : vector<1024xf32> to vector<1024x1xf32>
    %div3A_63 = arith.constant 1.280000e+02 : f32
    %div3A_64 = vector.broadcast %div3A_63 : f32 to vector<1024x1xf32>
    %div3A_65 = arith.divf %broadcast_in_dim3A_62, %div3A_64 : vector<1024x1xf32>
    %add3A_66 = arith.constant 9.99999974E-6 : f32
    %add3A_67 = vector.broadcast %add3A_66 : f32 to vector<1024x1xf32>
    %add3A_68 = arith.addf %div3A_65, %add3A_67 : vector<1024x1xf32>
    %rsqrt3A = math.rsqrt %add3A_68 : vector<1024x1xf32>
    %mul3A_69 = vector.broadcast %rsqrt3A : vector<1024x1xf32> to vector<1024x128xf32>
    %mul3A_70 = arith.mulf %sub3A_58, %mul3A_69 : vector<1024x128xf32>
    %get3A_71 = arith.constant 0 : index
    %get3A_72 = arith.constant 0 : index
    %get3A_73 = vector.load %arg6[%get3A_71, %get3A_72] : memref<1x128xf32, #tpu.memory_space<vmem>>, vector<1x128xf32>
    %mul3A_74 = vector.broadcast %get3A_73 : vector<1x128xf32> to vector<1024x128xf32>
    %mul3A_75 = arith.mulf %mul3A_70, %mul3A_74 : vector<1024x128xf32>
    %get3A_76 = arith.constant 0 : index
    %get3A_77 = arith.constant 0 : index
    %get3A_78 = vector.load %arg7[%get3A_76, %get3A_77] : memref<1x128xf32, #tpu.memory_space<vmem>>, vector<1x128xf32>
    %add3A_79 = vector.broadcast %get3A_78 : vector<1x128xf32> to vector<1024x128xf32>
    %add3A_80 = arith.addf %mul3A_75, %add3A_79 : vector<1024x128xf32>
    %add3A_81 = arith.addf %add3A_80, %get3A_1 : vector<1024x128xf32>
    %mul3A_82 = arith.constant 5.000000e-01 : f32
    %mul3A_83 = vector.broadcast %mul3A_82 : f32 to vector<1024x128xf32>
    %mul3A_84 = arith.mulf %mul3A_83, %add3A_81 : vector<1024x128xf32>
    %mul3A_85 = arith.constant 0.707106769 : f32
    %mul3A_86 = vector.broadcast %mul3A_85 : f32 to vector<1024x128xf32>
    %mul3A_87 = arith.mulf %add3A_81, %mul3A_86 : vector<1024x128xf32>
    %erf3A = math.erf %mul3A_87 : vector<1024x128xf32>
    %add3A_88 = arith.constant 1.000000e+00 : f32
    %add3A_89 = vector.broadcast %add3A_88 : f32 to vector<1024x128xf32>
    %add3A_90 = arith.addf %add3A_89, %erf3A : vector<1024x128xf32>
    %mul3A_91 = arith.mulf %mul3A_84, %add3A_90 : vector<1024x128xf32>
    %swap3A = arith.constant 0 : index
    %swap3A_92 = arith.constant 0 : index
    %swap3A_93 = vector.load %arg8[%swap3A, %swap3A_92] : memref<1024x128xf32, #tpu.memory_space<vmem>>, vector<1024x128xf32>
    tpu.vector_store %arg8[%swap3A, %swap3A_92], %mul3A_91 {strides = array<i32>} : memref<1024x128xf32, #tpu.memory_space<vmem>>, vector<1024x128xf32>,
    return
  }
  func.func @transform_0(%arg0: i32) -> (i32, i32) {
    %add3A = arith.constant 0 : i32
    %add3A_0 = arith.addi %arg0, %add3A : i32
    %c0_i32 = arith.constant 0 : i32
    %c0_i32_1 = arith.constant 0 : i32
    return %add3A_0, %c0_i32 : i32, i32
  }
  func.func @transform_1(%arg0: i32) -> (i32, i32, i32) {
    %c0_i32 = arith.constant 0 : i32
    %c0_i32_0 = arith.constant 0 : i32
    %c0_i32_1 = arith.constant 0 : i32
    return %c0_i32, %arg0, %c0_i32_0 : i32, i32, i32
  }
  func.func @transform_2(%arg0: i32) -> (i32, i32) {
    %add3A = arith.constant 0 : i32
    %add3A_0 = arith.addi %arg0, %add3A : i32
    %c0_i32 = arith.constant 0 : i32
    %c0_i32_1 = arith.constant 0 : i32
    return %c0_i32, %add3A_0 : i32, i32
  }
  func.func @transform_3(%arg0: i32) -> (i32, i32) {
    %c0_i32 = arith.constant 0 : i32
    %c0_i32_0 = arith.constant 0 : i32
    %c0_i32_1 = arith.constant 0 : i32
    return %c0_i32, %c0_i32_0 : i32, i32
  }
  func.func @transform_4(%arg0: i32) -> (i32, i32) {
    %c0_i32 = arith.constant 0 : i32
    %c0_i32_0 = arith.constant 0 : i32
    %c0_i32_1 = arith.constant 0 : i32
    return %c0_i32, %c0_i32_0 : i32, i32
  }
  func.func @transform_5(%arg0: i32) -> (i32, i32) {
    %c0_i32 = arith.constant 0 : i32
    %c0_i32_0 = arith.constant 0 : i32
    %c0_i32_1 = arith.constant 0 : i32
    return %c0_i32, %c0_i32_0 : i32, i32
  }
  func.func @transform_6(%arg0: i32) -> (i32, i32) {
    %c0_i32 = arith.constant 0 : i32
    %c0_i32_0 = arith.constant 0 : i32
    %c0_i32_1 = arith.constant 0 : i32
    return %c0_i32, %c0_i32_0 : i32, i32
  }
  func.func @transform_7(%arg0: i32) -> (i32, i32) {
    %c0_i32 = arith.constant 0 : i32
    %c0_i32_0 = arith.constant 0 : i32
    return %arg0, %c0_i32 : i32, i32
  }
}

</mosaic_0001>

<sc_bundles>
// kernel: kernel.4.cloned.1.call-start
scs
__scs_entry_jumppad:
0x0: {  	(pc) =	sbr.rel $0x88, $3  }
0x1: {  	(tag) =	ssettag $0x0;
	lr =	simm.s32 $0x1  }
0x2: {  	[smem:$0x3F94] =	sst lr;
	_ =	strace $0xD0000000  }
0x3: {  	_ = 	snop  }
0x4: {  	_ = 	snop  }
0x5: {  	_ = 	snop  }
0x6: {  	_ = 	snop  }
0x7: {  	_ = 	snop  }
__scs_overlays_trampoline_lowered:
0x8: {  	[smem:$0x3FA3] =	sst s0  }
0x9: {  	[smem:$0x3FA4] =	sst s1  }
0xa: {  	[smem:$0x3FA5] =	sst s2  }
0xb: {  	[smem:$0x3FA6] =	sst s3  }
0xc: {  	[smem:$0x3FA7] =	sst s4  }
0xd: {  	[smem:$0x3FA8] =	sst s5  }
0xe: {  	[smem:$0x3FA9] =	sst s6  }
0xf: {  	[smem:$0x3FAA] =	sst s7  }
0x10: {  	[smem:$0x3FAB] =	sst s8  }
0x11: {  	[smem:$0x3FAC] =	sst s9;
	s0 =	simm.s32 @!p0 $0x0  }
0x12: {  	s1 =	sld [smem:$0x3F92];
	s0 =	simm.s32 @p0 $0x1  }
0x13: {  	[smem:$0x3FAD] =	sst s0;
	s0 =	simm.s32 @!p1 $0x0  }
0x14: {  	s2 =	sld [smem:$0x3F91];
	s0 =	simm.s32 @p1 $0x1  }
0x15: {  	[smem:$0x3FAE] =	sst s0;
	s0 =	simm.s32 @!p2 $0x0  }
0x16: {  	s3 =	sld [smem:$0x3FDB];
	s0 =	simm.s32 @p2 $0x1  }
0x17: {  	s4 =	simm.s32 $0x1BF5;
	[smem:$0x3FB0] =	sst s0  }
0x18: {  	s0 =	sld [smem:$0x3F93];
	_ =	swait.ge [sflag:s4], $0x0  }
0x19: {  	s7 =	sld [smem:$0x3F94]  }
0x1a: {  	s8 =	sadd.s32 $0xFFFFE003, lr  }
0x1b: {  	s9 =	sadd.s32 $0xFFFFFEF7, lr;
	s5 =	simm.s32 $0xFFFFFFFF;
	p2 =	slt.u32 s8, $0xFFFFF086  }
0x1c: {  	p1 =	slt.u32 s9, $0xF7A;
	s5 =	simm.s32 @!p2 $0x0  }
0x1d: {  	s5 =	simm.s32 @p1 $0x1;
	p0 =	seq.s32 s7, s2  }
0x1e: {  	s7 =	smul.u32 @!p0 $0xF7A, s2;
	p2 =	seq.s32 @!p0 s5, $0x0  }
0x1f: {  	s9 =	smul.u32 $0xF7A, s1;
	s8 =	simm.s32 @!p0 $0x1BF5;
	p2 =	por !p2, p0  }
0x20: {  	[sflag:s8] =	ssyncset.s32 @!p0 $0xFFFFF086;
	s6 =	sadd.s32 @!p0 s3, s7;
	s7 =	simm.s32 @!p0 $0x108  }
0x21: {  	s3 =	sadd.s32 s3, s9;
	s6 =	sadd.s32 @!p0 $0x88, s6;
	s7 =	simm.s32 @p2 $0x1082  }
0x22: {  	[simem:s7], [sflag:s8] =	dma.local @!p0 [hbm:s6], $0xF7A  }
0x23: {  	s9 =	sor.u32 $0xD0000000, s2;
	s6 =	simm.s32 $0x108;
	_ =	swait.ge @!p0 [sflag:s8], $0x0  }
0x24: {  	s3 =	sadd.s32 $0x88, s3;
	s6 =	simm.s32 @!p1 $0x1082;
	[sflag:s4] =	ssyncset.s32 $0xFFFFF086  }
0x25: {  	[simem:s6], [sflag:s4] =	dma.local [hbm:s3], $0xF7A  }
0x26: {  	[smem:$0x3F94] =	sst s1;
	(tag) =	ssettag s2;
	_ =	strace s9  }
0x27: {  	s1 =	sld [smem:$0x3FA4]  }
0x28: {  	s2 =	sld [smem:$0x3FA5]  }
0x29: {  	s4 =	sld [smem:$0x3FA7]  }
0x2a: {  	p0 =	seq.s32 s5, $0x0;
	s5 =	sld [smem:$0x3FA8]  }
0x2b: {  	s6 =	sld [smem:$0x3FA9]  }
0x2c: {  	s7 =	sld [smem:$0x3FAA]  }
0x2d: {  	s3 =	simm.s32 $0x108;
	s8 =	sld [smem:$0x3FAB]  }
0x2e: {  	s3 =	simm.s32 @!p0 $0x1082;
	s9 =	sld [smem:$0x3FAC]  }
0x2f: {  	lr =	sadd.s32 s0, s3;
	s0 =	sld [smem:$0x3FA3]  }
0x30: {  	s3 =	sld [smem:$0x3FA6]  }
0x31: {  	[smem:$0x3FAF] =	sst s10  }
0x32: {  	s10 =	sld [smem:$0x3FAD];
	_ =	sdelay $0x3  }
0x33: {  	p0 =	seq.s32 s10, $0x1;
	s10 =	sld [smem:$0x3FAF];
	_ =	sdelay $0x3  }
0x34: {  	[smem:$0x3FAF] =	sst s10  }
0x35: {  	s10 =	sld [smem:$0x3FAE];
	_ =	sdelay $0x3  }
0x36: {  	p1 =	seq.s32 s10, $0x1;
	s10 =	sld [smem:$0x3FAF];
	_ =	sdelay $0x3  }
0x37: {  	[smem:$0x3FAF] =	sst s10  }
0x38: {  	s10 =	sld [smem:$0x3FB0]  }
0x39: {  	_ = 	snop;
	(pc) =	sbr.ind lr, $3  }
0x3a: {  	_ = 	snop  }
0x3b: {  	_ = 	snop  }
0x3c: {  	p2 =	seq.s32 s10, $0x1;
	s10 =	sld [smem:$0x3FAF]  }
0x3d: {  	_ =	shalt  }
0x3e: {  	_ =	shalt  }
0x3f: {  	_ =	shalt  }
0x40: {  	_ =	shalt  }
0x41: {  	_ =	shalt  }
0x42: {  	_ =	shalt  }
0x43: {  	_ =	shalt  }
0x44: {  	_ =	shalt  }
0x45: {  	_ =	shalt  }
0x46: {  	_ =	shalt  }
0x47: {  	_ =	shalt  }
0x48: {  	_ =	shalt  }
0x49: {  	_ =	shalt  }
0x4a: {  	_ =	shalt  }
0x4b: {  	_ =	shalt  }
0x4c: {  	_ =	shalt  }
0x4d: {  	_ =	shalt  }
0x4e: {  	_ =	shalt  }
0x4f: {  	_ =	shalt  }
0x50: {  	_ =	shalt  }
0x51: {  	_ =	shalt  }
0x52: {  	_ =	shalt  }
0x53: {  	_ =	shalt  }
0x54: {  	_ =	shalt  }
0x55: {  	_ =	shalt  }
0x56: {  	_ =	shalt  }
0x57: {  	_ =	shalt  }
0x58: {  	_ =	shalt  }
0x59: {  	_ =	shalt  }
0x5a: {  	_ =	shalt  }
0x5b: {  	_ =	shalt  }
0x5c: {  	_ =	shalt  }
0x5d: {  	_ =	shalt  }
0x5e: {  	_ =	shalt  }
0x5f: {  	_ =	shalt  }
0x60: {  	_ =	shalt  }
0x61: {  	_ =	shalt  }
0x62: {  	_ =	shalt  }
0x63: {  	_ =	shalt  }
0x64: {  	_ =	shalt  }
0x65: {  	_ =	shalt  }
0x66: {  	_ =	shalt  }
0x67: {  	_ =	shalt  }
0x68: {  	_ =	shalt  }
0x69: {  	_ =	shalt  }
0x6a: {  	_ =	shalt  }
0x6b: {  	_ =	shalt  }
0x6c: {  	_ =	shalt  }
0x6d: {  	_ =	shalt  }
0x6e: {  	_ =	shalt  }
0x6f: {  	_ =	shalt  }
0x70: {  	_ =	shalt  }
0x71: {  	_ =	shalt  }
0x72: {  	_ =	shalt  }
0x73: {  	_ =	shalt  }
0x74: {  	_ =	shalt  }
0x75: {  	_ =	shalt  }
0x76: {  	_ =	shalt  }
0x77: {  	_ =	shalt  }
0x78: {  	_ =	shalt  }
0x79: {  	_ =	shalt  }
0x7a: {  	_ =	shalt  }
0x7b: {  	_ =	shalt  }
0x7c: {  	_ =	shalt  }
0x7d: {  	_ =	shalt  }
0x7e: {  	_ =	shalt  }
0x7f: {  	_ =	shalt  }
0x80: {  	_ =	shalt  }
0x81: {  	_ =	shalt  }
0x82: {  	_ =	shalt  }
0x83: {  	_ =	shalt  }
0x84: {  	_ =	shalt  }
0x85: {  	_ =	shalt  }
0x86: {  	_ =	shalt  }
0x87: {  	_ =	shalt  }
.Lfunc_end0:
.L_simem_size_0:
called_computation_lowered:
.L_overlay_start_0:
0x88: {  	s2 =	sld [smem:$0x3FD9]  }
0x89: {  	s3 =	sld [smem:$0x3FFE];
	_ =	sdelay $0x1  }
0x8a: {  	s1 =	srdreg.scid  }
0x8b: {  	s0 =	sand.u32 $0x1, s1  }
0x8c: {  	s17 =	sshll.u32 s0, $0xA;
	s2 =	sadd.s32 s3, s2  }
0x8d: {  	s2 =	sadd.s32 s2, s17  }
0x8e: {  	[smem:$0x3FBB] =	sst s2  }
0x8f: {  	_ = 	snop  }
0x90: {  	s2 =	sld [smem:$0x3FC9]  }
0x91: {  	s18 =	sld [smem:$0x3FD0];
	(tm) =	ssettm $0x1  }
0x92: {  	s4 =	sld [smem:$0x3FFB];
	_ =	sdelay $0x3  }
0x93: {  	_ =	strace s4  }
0x94: {  	s4 =	sld [smem:$0x3FFC];
	_ =	sdelay $0x3  }
0x95: {  	_ =	strace s4  }
0x96: {  	s4 =	sld [smem:$0x3FFD];
	_ =	sdelay $0x3  }
0x97: {  	_ =	strace s4  }
0x98: {  	_ =	strace $0x8FFFFFFF  }
0x99: {  	s19 =	sld [smem:$0x3FDB];
	_ =	sdelay $0x1  }
0x9a: {  	s5 =	simm.s32 $_scs_section_size  }
0x9b: {  	s6 =	simm.s32 $_size__tile_overlayer_lowered;
	s7 =	simm.s32 $_tile_overlayer_lowered  }
0x9c: {  	s22 =	simm.s32 $0x1BFF;
	s21 =	sshll.u32 s7, $0x1;
	s4 =	sadd.s32 s5, s19  }
0x9d: {  	s8 =	simm.s32 $0x0;
	s20 =	sshll.u32 s6, $0x1;
	s6 =	sadd.s32 s21, s4  }
0x9e: {  	[timem:s8], [sflag:s22] =	dma.local [hbm:s6], s20  }
0x9f: {  	_ =	swait.ge [sflag:s22], s20  }
0xa0: {  	s5 =	ssub.s32 $0x0, s20;
	[sflag:s22] =	ssyncset.done $0x0  }
0xa1: {  	[sflag:s22] =	ssyncadd.s32 s5;
	_ =	sdelay $0x1  }
0xa2: {  	s23 =	simm.s32 $0x1B8B  }
0xa3: {  	_ =	swait.ge [sflag:s23], $0x1  }
0xa4: {  	[sflag:s23] =	ssyncset.done $0x0  }
0xa5: {  	s25 =	simm.s32 $0x1B8E;
	s24 =	sld [smem:$0x3FFE];
	[sflag:s23] =	ssyncadd.s32 $0xFFFFFFFF  }
0xa6: {  	s26 =	simm.s32 $execute0_lowered;
	[smem:$0x3FD2] =	sst s25  }
0xa7: {  	s6 =	sshll.u32 s26, $0x1;
	_ =	strace $0x80000046;
	[dreg:$0x1] =	wrdreg $0xFFFFFFFF  }
0xa8: {  	s28 =	simm.s32 $_size_execute0_lowered;
	s4 =	sadd.s32 s4, s6;
	[dreg:$0x0] =	wrdreg $0x0  }
0xa9: {  	s6 =	sshll.u32 s28, $0x1;
	[dreg:$0x2] =	wrdreg s4  }
0xaa: {  	[dreg:$0x3] =	wrdreg s6  }
0xab: {  	[dreg:$0x4] =	wrdreg $0xC0  }
0xac: {  	_ =	task [dreg:s8], $0x5FFFF  }
0xad: {  	[dreg:$0x1] =	wrdreg $0xFFFFFFFF  }
0xae: {  	[dreg:$0x0] =	wrdreg $0x60  }
0xaf: {  	[dreg:$0x2] =	wrdreg s18  }
0xb0: {  	[dreg:$0x3] =	wrdreg s2  }
0xb1: {  	[dreg:$0x4] =	wrdreg s24  }
0xb2: {  	[dreg:$0x5] =	wrdreg $0x9  }
0xb3: {  	_ =	task.clear_ibuf [dreg:s8], $0x6FFFF;
	_ =	strace $0x90000046  }
0xb4: {  	s29 =	simm.s32 $0x9;
	_ =	strace $0x80000048  }
0xb5: {  	_ =	swait.ge [sflag:s29], $0x1  }
0xb6: {  	[sflag:s29] =	ssyncadd.s32 $0xFFFFFFFF  }
0xb7: {  	_ =	strace $0x90000048  }
0xb8: {  	_ =	sfence  }
0xb9: {  	s30 =	sld [smem:$0x0];
	_ =	sdelay $0x2  }
0xba: {  	s31 =	sshll.u32 s1, $0xD;
	s1 =	sshrl.u32 s1, $0x2  }
0xbb: {  	s3 =	sand.u32 $0x4000, s31;
	s1 =	sadd.s32 s1, s30  }
0xbc: {  	s0 =	sor.u32 s3, s0;
	s1 =	sshll.u32 s1, $0x11  }
0xbd: {  	s0 =	sor.u32 s1, s0  }
0xbe: {  	s0 =	sadd.s32 $0x8F2B, s0  }
0xbf: {  	[sflag:s0] =	ssyncadd.remote.s32 $0x1  }
0xc0: {  	_ =	sfence.sel $0xFFFF  }
0xc1: {  	[dreg:$0x0] =	wrdreg $0xFFFFFFFF;
	(pc) =	sbr.abs _section_cstart, $3  }
0xc2: {  	[dreg:$0x1] =	wrdreg $0xFFFFFFFF  }
0xc3: {  	_ =	task.clear_ibuf [dreg:s8], $0x2FFFF;
	_ =	strace $0x9FFFFFFF  }
0xc4: {  	(tm) =	ssettm $0x7FFFFFFF  }
0xc5: {  	_ =	shalt  }
tec
execute0_lowered:
.L_overlay_start_1:
0x0: {  	(tag) =	ssettag $0x1  }
0x1: {  	s0 =	rddreg [dreg:$0x0]  }
0x2: {  	s8 =	stileid.u32;
	s2 =	rddreg [dreg:$0x1]  }
0x3: {  	s1 =	srdreg.scid;
	s4 =	rddreg [dreg:$0x2]  }
0x4: {  	s11 =	simm.s32 $0x80;
	s13 =	simm.s32 $0xB;
	s14 =	simm.s32 $0x3200  }
0x5: {  	s28 =	simm.s32 $0x7;
	s29 =	simm.s32 $0x8;
	s30 =	simm.s32 $0x9  }
0x6: {  	s31 =	simm.s32 $0xA;
	s3 =	sshll.u32 s8, $0x1;
	s5 =	sshrl.u32 s8, $0x2  }
0x7: {  	s1 =	sand.u32 $0x1, s1;
	s8 =	sand.u32 $0x3, s8;
	s7 =	smul.u32 $0xC80000, s5  }
0x8: {  	s9 =	sadd.s32 $0x1800, s4;
	s3 =	sand.u32 $0x6, s3;
	s8 =	smul.u32 $0x320000, s8  }
0x9: {  	s15 =	smul.u32 $0x190000, s1;
	s5 =	sshll.u32 s5, $0x7;
	s3 =	sor.u32 s1, s3  }
0xa: {  	s1 =	ssub.s32 $0x2, s1;
	s6 =	smul.u32 $0xC800, s3;
	s3 =	simm.s32 $0x0  }
0xb: {  	s7 =	sadd.s32 s8, s7;
	s16 =	sshrl.u32 s1, $0x1;
	[smem:$0x7FF] =	sst s3  }
0xc: {  	s17 =	sadd.s32 s15, s7;
	s1 =	ssub.s32 s1, s16;
	s15 =	simm.s32 $0x7200  }
0xd: {  	_ =	strace $0x80000047;
	s5 =	sor.u32 s5, s6;
	s19 =	sadd.s32 $0x10000, s17  }
0xe: {  	s21 =	sor.u32 $0xC000, s17;
	s1 =	smax.u32 s1, $0x1;
	s23 =	sor.u32 $0x8000, s17  }
0xf: {  	s24 =	sor.u32 $0x4000, s17;
	s25 =	sshrl.u32 s17, $0x3;
	s17 =	simm.s32 $0xB200  }
0x10: {  	s18 =	sshrl.u32 s5, $0x3;
	s20 =	sshrl.u32 s19, $0x3;
	[dreg:$0x5] =	wrdreg s1  }
0x11: {  	s22 =	sshrl.u32 s21, $0x3;
	s1 =	sshrl.u32 s24, $0x3;
	s19 =	simm.s32 $0xF200  }
0x12: {  	s21 =	simm.s32 $0x1;
	s24 =	simm.s32 $0x4;
	s0 =	sadd.s32 s0, s18  }
0x13: {  	s26 =	sadd.s32 s1, s9;
	s1 =	simm.s32 $0x0;
	[dreg:$0x4] =	wrdreg s0  }
.Ltmp0:
0x14: {  	s0 =	sadd.s32 s20, s9;
	[dreg:$0x9] =	wrdreg s26;
	(pc) =	sbr.rel .LBB2_1-.Ltmp0, $4  }
0x15: {  	s20 =	simm.s32 $0x13200;
	[dreg:$0x6] =	wrdreg s0;
	s0 =	sadd.s32 s22, s9  }
0x16: {  	s26 =	simm.s32 $0x6;
	[dreg:$0x7] =	wrdreg s0;
	s0 =	sshrl.u32 s23, $0x3  }
0x17: {  	s22 =	simm.s32 $0x2;
	s23 =	simm.s32 $0x3;
	s0 =	sadd.s32 s0, s9  }
0x18: {  	[dreg:$0x8] =	wrdreg s0;
	s0 =	sadd.s32 s25, s9;
	s25 =	simm.s32 $0x5  }
.LBB2_4:
0x19: {  	_ =	swait.ge [sflag:s26], $0x4000  }
0x1a: {  	[sflag:s26] =	ssyncset.done $0x0  }
0x1b: {  	[sflag:s26] =	ssyncadd.s32 $0xFFFFC000  }
0x1c: {  	_ =	swait.ge [sflag:s28], $0x4000  }
0x1d: {  	[sflag:s28] =	ssyncset.done $0x0  }
0x1e: {  	[sflag:s28] =	ssyncadd.s32 $0xFFFFC000  }
0x1f: {  	_ =	swait.ge [sflag:s29], $0x4000  }
0x20: {  	[sflag:s29] =	ssyncset.done $0x0  }
0x21: {  	[sflag:s29] =	ssyncadd.s32 $0xFFFFC000  }
0x22: {  	_ =	swait.ge [sflag:s30], $0x4000  }
0x23: {  	[sflag:s30] =	ssyncset.done $0x0  }
0x24: {  	[sflag:s30] =	ssyncadd.s32 $0xFFFFC000  }
0x25: {  	_ =	swait.ge [sflag:s31], $0x4000  }
0x26: {  	s1 =	sadd.s32 $0x1, s1;
	s4 =	rddreg [dreg:$0x5]  }
0x27: {  	p0 =	sne.s32 s1, s4  }
.Ltmp1:
0x28: {  	_ = 	snop;
	(pc) =	sbr.rel @!p0 .LBB2_5-.Ltmp1, $3  }
0x29: {  	_ =	sdelay $0x1  }
0x2a: {  	[sflag:s31] =	ssyncset.done $0x0  }
0x2b: {  	[sflag:s31] =	ssyncadd.s32 $0xFFFFC000  }
.LBB2_1:
0x2c: {  	s4 =	rddreg [dreg:$0x4];
	s5 =	simm.s32 $0x200  }
0x2d: {  	[tilespmem:s3], [sflag:$0xB] =	stream.strided.gather [hbm4b:s4+s11], $0x3200, s5, s11, $0x38;
	[tilespmem:$0x17200] =	vst v63  }
0x2e: {  	_ =	swait.ge [sflag:s13], $0x3200  }
0x2f: {  	[sflag:s13] =	ssyncset.done $0x0  }
0x30: {  	[sflag:s13] =	ssyncadd.s32 $0xFFFFCE00  }
0x31: {  	[tilespmem:s14], [sflag:$0x1] =	stream.indirect.gather [hbm4b:s2+s11], $0x80, s3, s11, $0xb8;
	[tilespmem:$0x17200] =	vst v63  }
0x32: {  	_ = 	snop  }
0x33: {  	[tilespmem:s15], [sflag:$0x2] =	stream.indirect.gather [hbm4b:s2+s11], $0x80, s11, s11, $0xb8;
	[tilespmem:$0x17200] =	vst v63  }
0x34: {  	s16 =	simm.s32 $0x100;
	s9 =	rddreg [dreg:$0x9]  }
0x35: {  	[tilespmem:s17], [sflag:$0x3] =	stream.indirect.gather [hbm4b:s2+s11], $0x80, s16, s11, $0xb8;
	[tilespmem:$0x17200] =	vst v63  }
0x36: {  	s18 =	simm.s32 $0x180;
	s8 =	rddreg [dreg:$0x8]  }
0x37: {  	[tilespmem:s19], [sflag:$0x4] =	stream.indirect.gather [hbm4b:s2+s11], $0x80, s18, s11, $0xb8;
	[tilespmem:$0x17200] =	vst v63  }
0x38: {  	s7 =	rddreg [dreg:$0x7]  }
0x39: {  	[tilespmem:s20], [sflag:$0x5] =	stream.indirect.gather [hbm4b:s2+s11], $0x80, s5, s11, $0xb8;
	[tilespmem:$0x17200] =	vst v63  }
0x3a: {  	s10 =	smov.u32 s0;
	s6 =	rddreg [dreg:$0x6];
	s5 =	simm.s32 $0x0  }
.LBB2_2:
0x3b: {  	_ =	swait.ge [sflag:s21], $0x4000  }
0x3c: {  	p0 =	seq.s32 s5, $0xBE00;
	[sflag:s21] =	ssyncset.done $0x0  }
0x3d: {  	s4 =	simm.s32 @!p0 $0x6;
	[sflag:s21] =	ssyncadd.s32 $0xFFFFC000  }
0x3e: {  	[hbm4b:s10+s3] =	stream.linear.scatter [tilespmem:s14], [sflag:$0x6], $0x4000, $0x38;
	[tilespmem:$0x17200] =	vst v63  }
0x3f: {  	_ =	swait.ge @!p0 [sflag:s4], $0x4000  }
0x40: {  	[sflag:s4] =	ssyncset.done @!p0 $0x0  }
0x41: {  	[sflag:s4] =	ssyncadd.s32 @!p0 $0xFFFFC000;
	s4 =	sshra.s32 @!p0 s5, $0x2  }
0x42: {  	s12 =	simm.s32 @!p0 $0x80;
	s16 =	simm.s32 @!p0 $0x3200;
	s18 =	sadd.s32 @!p0 $0x280, s4  }
0x43: {  	[tilespmem:s16], [sflag:$0x1] =	stream.indirect.gather @!p0 [hbm4b:s2+s12], $0x80, s18, s12, $0xb8;
	[tilespmem:$0x17200] =	vst v63  }
0x44: {  	_ =	swait.ge [sflag:s22], $0x4000  }
0x45: {  	[sflag:s22] =	ssyncset.done $0x0  }
0x46: {  	s16 =	simm.s32 @!p0 $0x7;
	[sflag:s22] =	ssyncadd.s32 $0xFFFFC000  }
0x47: {  	[hbm4b:s9+s3] =	stream.linear.scatter [tilespmem:s15], [sflag:$0x7], $0x4000, $0x38;
	[tilespmem:$0x17200] =	vst v63  }
0x48: {  	_ =	swait.ge @!p0 [sflag:s16], $0x4000  }
0x49: {  	[sflag:s16] =	ssyncset.done @!p0 $0x0  }
0x4a: {  	s18 =	simm.s32 @!p0 $0x7200;
	[sflag:s16] =	ssyncadd.s32 @!p0 $0xFFFFC000;
	s16 =	sadd.s32 @!p0 $0x300, s4  }
0x4b: {  	[tilespmem:s18], [sflag:$0x2] =	stream.indirect.gather @!p0 [hbm4b:s2+s12], $0x80, s16, s12, $0xb8;
	[tilespmem:$0x17200] =	vst v63  }
0x4c: {  	_ =	swait.ge [sflag:s23], $0x4000  }
0x4d: {  	[sflag:s23] =	ssyncset.done $0x0  }
0x4e: {  	s16 =	simm.s32 @!p0 $0x8;
	[sflag:s23] =	ssyncadd.s32 $0xFFFFC000  }
0x4f: {  	[hbm4b:s8+s3] =	stream.linear.scatter [tilespmem:s17], [sflag:$0x8], $0x4000, $0x38;
	[tilespmem:$0x17200] =	vst v63  }
0x50: {  	_ =	swait.ge @!p0 [sflag:s16], $0x4000  }
0x51: {  	[sflag:s16] =	ssyncset.done @!p0 $0x0  }
0x52: {  	s18 =	simm.s32 @!p0 $0xB200;
	[sflag:s16] =	ssyncadd.s32 @!p0 $0xFFFFC000;
	s16 =	sadd.s32 @!p0 $0x380, s4  }
0x53: {  	[tilespmem:s18], [sflag:$0x3] =	stream.indirect.gather @!p0 [hbm4b:s2+s12], $0x80, s16, s12, $0xb8;
	[tilespmem:$0x17200] =	vst v63  }
0x54: {  	_ =	swait.ge [sflag:s24], $0x4000  }
0x55: {  	[sflag:s24] =	ssyncset.done $0x0  }
0x56: {  	s16 =	simm.s32 @!p0 $0x9;
	[sflag:s24] =	ssyncadd.s32 $0xFFFFC000  }
0x57: {  	[hbm4b:s7+s3] =	stream.linear.scatter [tilespmem:s19], [sflag:$0x9], $0x4000, $0x38;
	[tilespmem:$0x17200] =	vst v63  }
0x58: {  	_ =	swait.ge @!p0 [sflag:s16], $0x4000  }
0x59: {  	[sflag:s16] =	ssyncset.done @!p0 $0x0  }
0x5a: {  	s4 =	sadd.s32 @!p0 $0x400, s4;
	[sflag:s16] =	ssyncadd.s32 @!p0 $0xFFFFC000;
	s16 =	simm.s32 @!p0 $0xF200  }
0x5b: {  	[tilespmem:s16], [sflag:$0x4] =	stream.indirect.gather @!p0 [hbm4b:s2+s12], $0x80, s4, s12, $0xb8;
	[tilespmem:$0x17200] =	vst v63  }
.Ltmp2:
0x5c: {  	_ = 	snop;
	(pc) =	sbr.rel @p0 .LBB2_4-.Ltmp2, $4  }
0x5d: {  	_ =	swait.ge [sflag:s25], $0x4000  }
0x5e: {  	[sflag:s25] =	ssyncset.done $0x0  }
0x5f: {  	[sflag:s25] =	ssyncadd.s32 $0xFFFFC000  }
0x60: {  	[hbm4b:s6+s3] =	stream.linear.scatter [tilespmem:s20], [sflag:$0xA], $0x4000, $0x38;
	[tilespmem:$0x17200] =	vst v63  }
.Ltmp3:
0x61: {  	_ =	swait.ge [sflag:s31], $0x4000;
	s4 =	sshra.s32 s5, $0x2;
	(pc) =	sbr.rel .LBB2_2-.Ltmp3, $4  }
0x62: {  	s5 =	sadd.s32 $0xA00, s5;
	s6 =	sadd.s32 $0x2800, s6;
	s7 =	sadd.s32 $0x2800, s7  }
0x63: {  	s8 =	sadd.s32 $0x2800, s8;
	s9 =	sadd.s32 $0x2800, s9;
	[sflag:s31] =	ssyncset.done $0x0  }
0x64: {  	s10 =	sadd.s32 $0x2800, s10;
	s4 =	sadd.s32 $0x480, s4;
	[sflag:s31] =	ssyncadd.s32 $0xFFFFC000  }
0x65: {  	[tilespmem:s20], [sflag:$0x5] =	stream.indirect.gather [hbm4b:s2+s11], $0x80, s4, s11, $0xb8;
	[tilespmem:$0x17200] =	vst v63  }
.LBB2_5:
0x66: {  	_ =	sfence.sel $0x180000  }
0x67: {  	[bflag:$0x0] =	sbarrier.arrive $0xFFFF  }
0x68: {  	_ =	strace $0x90000047  }
0x69: {  	s0 =	stileid.u32;
	[bflag:$0x2] =	sbarrier.arrive $0xFFFF  }
0x6a: {  	p0 =	sne.s32 s0, $0x0;
	s0 =	rddreg [dreg:$0x3]  }
0x6b: {  	s0 =	sadd.s32 @!p0 $0x100000, s0  }
0x6c: {  	[sflag:s0] =	ssyncadd.tile.s32 @!p0 $0x1;
	_ =	shalt  }
.Lfunc_end2:
_tile_overlayer_lowered:
.L_overlay_start_2:
0x6d: {  	(tag) =	ssettag $0x2  }
0x6e: {  	s0 =	rddreg [dreg:$0x0];
	s2 =	stileid.u32  }
0x6f: {  	s1 =	rddreg [dreg:$0x1];
	p0 =	sne.s32 s2, $0x0  }
0x70: {  	s3 =	rddreg [dreg:$0x2];
	[bflag:$0x3] =	sbarrier.arrive $0xFFFF;
	s2 =	simm.s32 @!p0 $0x1C0B  }
0x71: {  	[timem:s3], [sflag:s2] =	dma.local @!p0 [hbm:s0], s1  }
0x72: {  	s0 =	simm.s32 @!p0 $0xB  }
0x73: {  	_ =	swait.ge @!p0 [sflag:s0], s1  }
0x74: {  	s1 =	ssub.s32 @!p0 $0x0, s1;
	[sflag:s0] =	ssyncset.done @!p0 $0x0  }
0x75: {  	[sflag:s0] =	ssyncadd.s32 @!p0 s1  }
0x76: {  	[bflag:$0x3] =	sbarrier.arrive $0xFFFF  }
0x77: {  	_ =	shalt  }

</sc_bundles>
